<compile_context>
chip_gen: v7x
topology: tpu7x:2x2x1
jax: 0.10.2.dev20260603
libtpu: 0.0.44.dev20260713+nightly
codegen_flags: <defaults>
</compile_context>

<pallas_src>
import functools

import jax
import jax.numpy as jnp
from jax import lax
from jax.experimental import pallas as pl
from jax.experimental.pallas import tpu as pltpu
from jax.experimental.pallas import tpu_sc as plsc

NN = 10000
FF = 128
HH = 64
EE = 320000
ETT = 4096

NC = 2
NS = 16
NW = NC * NS
CHUNK = 128
CPW = 80
EPAD = NW * CPW * CHUNK
NP = 10112
RS = NP // NS
DEGW = 8
EPS = 1e-5

_mesh = plsc.VectorSubcoreMesh(core_axis_name="c", subcore_axis_name="s")
_sc_params = pltpu.CompilerParams(use_tc_tiling_on_sc=False)



def _sc_degree(ones, dst2, zeros):
    @functools.partial(
        pl.kernel,
        out_type=(jax.ShapeDtypeStruct((NP, DEGW), jnp.float32),
                  jax.ShapeDtypeStruct((NP, DEGW), jnp.float32)),
        mesh=_mesh,
        compiler_params=_sc_params,
        scratch_types=[
            pltpu.VMEM((CPW, CHUNK), jnp.int32),
            pltpu.VMEM((CHUNK, DEGW), jnp.float32),
            pltpu.VMEM_SHARED((NP, DEGW), jnp.float32),
        ],
    )
    def k(ones_hbm, dst_hbm, zeros_hbm, out0, out1, dstv, buf, agg):
        cid = lax.axis_index("c")
        sid = lax.axis_index("s")
        wid = sid * NC + cid
        pltpu.sync_copy(dst_hbm.at[pl.ds(wid * CPW, CPW)], dstv)
        pltpu.sync_copy(ones_hbm, buf)
        pltpu.sync_copy(zeros_hbm.at[pl.ds(sid * RS, RS)],
                        agg.at[pl.ds(sid * RS, RS)])
        plsc.subcore_barrier()

        def body(j, c):
            pltpu.sync_copy(buf, agg.at[dstv.at[j]], add=True)
            return c

        lax.fori_loop(0, CPW, body, 0)
        plsc.subcore_barrier()

        @pl.when(cid == 0)
        def _():
            pltpu.sync_copy(agg.at[pl.ds(sid * RS, RS)],
                            out0.at[pl.ds(sid * RS, RS)])

        @pl.when(cid == 1)
        def _():
            pltpu.sync_copy(agg.at[pl.ds(sid * RS, RS)],
                            out1.at[pl.ds(sid * RS, RS)])

    return k(ones, dst2, zeros)


def _sc_scatter(table, src2, dst2, zeros, D):
    @functools.partial(
        pl.kernel,
        out_type=(jax.ShapeDtypeStruct((NP, D), jnp.float32),
                  jax.ShapeDtypeStruct((NP, D), jnp.float32)),
        mesh=_mesh,
        compiler_params=_sc_params,
        scratch_types=[
            pltpu.VMEM((CPW, CHUNK), jnp.int32),
            pltpu.VMEM((CPW, CHUNK), jnp.int32),
            [pltpu.VMEM((CHUNK, D), jnp.float32)] * 2,
            pltpu.VMEM_SHARED((NP, D), jnp.float32),
            [pltpu.SemaphoreType.DMA] * 2,
        ],
    )
    def k(table_hbm, src_hbm, dst_hbm, zeros_hbm, out0, out1,
          srcv, dstv, bufs, agg, gsems):
        cid = lax.axis_index("c")
        sid = lax.axis_index("s")
        wid = sid * NC + cid
        pltpu.sync_copy(src_hbm.at[pl.ds(wid * CPW, CPW)], srcv)
        pltpu.sync_copy(dst_hbm.at[pl.ds(wid * CPW, CPW)], dstv)
        pltpu.sync_copy(zeros_hbm.at[pl.ds(sid * RS, RS)],
                        agg.at[pl.ds(sid * RS, RS)])
        plsc.subcore_barrier()

        pltpu.async_copy(table_hbm.at[srcv.at[0]], bufs[0], gsems[0])

        def body(i, c):
            for b in range(2):
                jj = i * 2 + b
                pltpu.make_async_copy(table_hbm.at[srcv.at[0]],
                                      bufs[b], gsems[b]).wait()

                @pl.when(jj + 1 < CPW)
                def _():
                    pltpu.async_copy(table_hbm.at[srcv.at[jj + 1]],
                                     bufs[1 - b], gsems[1 - b])
                pltpu.sync_copy(bufs[b], agg.at[dstv.at[jj]], add=True)
            return c

        lax.fori_loop(0, CPW // 2, body, 0)
        plsc.subcore_barrier()

        @pl.when(cid == 0)
        def _():
            pltpu.sync_copy(agg.at[pl.ds(sid * RS, RS)],
                            out0.at[pl.ds(sid * RS, RS)])

        @pl.when(cid == 1)
        def _():
            pltpu.sync_copy(agg.at[pl.ds(sid * RS, RS)],
                            out1.at[pl.ds(sid * RS, RS)])

    return k(table, src2, dst2, zeros)



def _dinv_body(d0_ref, d1_ref, out_ref):
    d = d0_ref[:, 0:1] + d1_ref[:, 0:1] + 1.0
    out_ref[...] = lax.rsqrt(d)


def _dinv(deg0, deg1):
    return pl.pallas_call(
        _dinv_body,
        out_shape=jax.ShapeDtypeStruct((NP, 1), jnp.float32),
    )(deg0, deg1)


def _prescale_mm_body(x_ref, w_ref, dinv_ref, out_ref):
    h = jnp.dot(x_ref[...], w_ref[...], preferred_element_type=jnp.float32)
    out_ref[...] = dinv_ref[...] * h


def _prescale_mm(xpad, W, dinv, D):
    return pl.pallas_call(
        _prescale_mm_body,
        grid=(NS,),
        in_specs=[
            pl.BlockSpec((RS, xpad.shape[1]), lambda i: (i, 0)),
            pl.BlockSpec((xpad.shape[1], D), lambda i: (0, 0)),
            pl.BlockSpec((RS, 1), lambda i: (i, 0)),
        ],
        out_specs=pl.BlockSpec((RS, D), lambda i: (i, 0)),
        out_shape=jax.ShapeDtypeStruct((NP, D), jnp.float32),
    )(xpad, W, dinv)


_NB = 10
_RB = NN // _NB


def _combine_body(a0_ref, a1_ref, hp_ref, dinv_ref, b_ref, t_ref, s_ref):
    i = pl.program_id(0)
    t = dinv_ref[...] * (a0_ref[...] + a1_ref[...] + hp_ref[...]) + b_ref[...]
    t_ref[...] = t

    @pl.when(i == 0)
    def _():
        s_ref[...] = jnp.zeros_like(s_ref)

    s_ref[0:1, :] += jnp.sum(t, axis=0, keepdims=True)
    s_ref[1:2, :] += jnp.sum(t * t, axis=0, keepdims=True)


def _combine(agg0, agg1, hp, dinv, bias, D):
    return pl.pallas_call(
        _combine_body,
        grid=(_NB,),
        in_specs=[
            pl.BlockSpec((_RB, D), lambda i: (i, 0)),
            pl.BlockSpec((_RB, D), lambda i: (i, 0)),
            pl.BlockSpec((_RB, D), lambda i: (i, 0)),
            pl.BlockSpec((_RB, 1), lambda i: (i, 0)),
            pl.BlockSpec((1, D), lambda i: (0, 0)),
        ],
        out_specs=(pl.BlockSpec((_RB, D), lambda i: (i, 0)),
                   pl.BlockSpec((2, D), lambda i: (0, 0))),
        out_shape=(jax.ShapeDtypeStruct((NN, D), jnp.float32),
                   jax.ShapeDtypeStruct((2, D), jnp.float32)),
    )(agg0, agg1, hp, dinv, bias)


def _norm_from_stats(t, s_ref, gnp_ref, n_rows):
    m = s_ref[0:1, :] * (1.0 / n_rows)
    ex2 = s_ref[1:2, :] * (1.0 / n_rows)
    a = m * gnp_ref[2:3, :]
    var = ex2 - 2.0 * a * m + a * a
    o = t - a
    return jnp.maximum(
        gnp_ref[0:1, :] * o * lax.rsqrt(var + EPS) + gnp_ref[1:2, :], 0.0)


def _gn_scale_body(t_ref, s_ref, gnp_ref, dinv_ref, out_ref):
    y = _norm_from_stats(t_ref[...], s_ref, gnp_ref, float(NN))
    out_ref[...] = dinv_ref[...] * y


def _gn_scale(t, s, gnp, dinv, D):
    return pl.pallas_call(
        _gn_scale_body,
        grid=(_NB,),
        in_specs=[
            pl.BlockSpec((_RB, D), lambda i: (i, 0)),
            pl.BlockSpec((2, D), lambda i: (0, 0)),
            pl.BlockSpec((3, D), lambda i: (0, 0)),
            pl.BlockSpec((_RB, 1), lambda i: (i, 0)),
        ],
        out_specs=pl.BlockSpec((_RB, D), lambda i: (i, 0)),
        out_shape=jax.ShapeDtypeStruct((NN, D), jnp.float32),
    )(t, s, gnp, dinv)


def _combine_mm_body(a0_ref, a1_ref, up_ref, dinv_ref, w_ref, b_ref,
                     t_ref, s_ref):
    i = pl.program_id(0)
    u = a0_ref[...] + a1_ref[...] + up_ref[...]
    h = jnp.dot(u, w_ref[...], preferred_element_type=jnp.float32)
    t = dinv_ref[...] * h + b_ref[...]
    t_ref[...] = t

    @pl.when(i == 0)
    def _():
        s_ref[...] = jnp.zeros_like(s_ref)

    s_ref[0:1, :] += jnp.sum(t, axis=0, keepdims=True)
    s_ref[1:2, :] += jnp.sum(t * t, axis=0, keepdims=True)


def _combine_mm(agg0, agg1, up, dinv, W, bias, Din, Dout):
    return pl.pallas_call(
        _combine_mm_body,
        grid=(_NB,),
        in_specs=[
            pl.BlockSpec((_RB, Din), lambda i: (i, 0)),
            pl.BlockSpec((_RB, Din), lambda i: (i, 0)),
            pl.BlockSpec((_RB, Din), lambda i: (i, 0)),
            pl.BlockSpec((_RB, 1), lambda i: (i, 0)),
            pl.BlockSpec((Din, Dout), lambda i: (0, 0)),
            pl.BlockSpec((1, Dout), lambda i: (0, 0)),
        ],
        out_specs=(pl.BlockSpec((_RB, Dout), lambda i: (i, 0)),
                   pl.BlockSpec((2, Dout), lambda i: (0, 0))),
        out_shape=(jax.ShapeDtypeStruct((NN, Dout), jnp.float32),
                   jax.ShapeDtypeStruct((2, Dout), jnp.float32)),
    )(agg0, agg1, up, dinv, W, bias)


def _feature_body(srct_ref, dstt_ref, xt_ref, w5_ref, b5_ref, gnp5_ref, p_ref):
    cols = lax.broadcasted_iota(jnp.int32, (ETT, FF), 1)
    ss = (srct_ref[...] == cols).astype(jnp.float32)
    sd = (dstt_ref[...] == cols).astype(jnp.float32)
    cmat = lax.dot_general(sd, ss, (((0,), (0,)), ((), ())),
                           preferred_element_type=jnp.float32)
    deg = jnp.sum(cmat, axis=1) + 1.0
    dinv = lax.rsqrt(deg)
    ii = lax.broadcasted_iota(jnp.int32, (FF, FF), 0)
    jj = lax.broadcasted_iota(jnp.int32, (FF, FF), 1)
    amat = dinv[:, None] * cmat * dinv[None, :]
    amat = amat + jnp.where(ii == jj, (dinv * dinv)[None, :], 0.0)
    h3 = jnp.dot(xt_ref[...], w5_ref[...], preferred_element_type=jnp.float32)
    t3 = jnp.dot(amat, h3, preferred_element_type=jnp.float32) + b5_ref[...]
    m = jnp.mean(t3, axis=0, keepdims=True)
    o = t3 - m * gnp5_ref[2:3, :]
    v = jnp.mean(o * o, axis=0, keepdims=True)
    ht3 = jnp.maximum(
        gnp5_ref[0:1, :] * o * lax.rsqrt(v + EPS) + gnp5_ref[1:2, :], 0.0)
    p_ref[...] = jnp.dot(amat, ht3, preferred_element_type=jnp.float32)


def _feature_branch(srct, dstt, x_t, W5, b5, gnp5):
    return pl.pallas_call(
        _feature_body,
        out_shape=jax.ShapeDtypeStruct((FF, HH), jnp.float32),
    )(srct, dstt, x_t, W5, b5, gnp5)


def _final_body(t_ref, s_ref, gnp4_ref, p_ref, w8_ref, b8_ref, gnp8_ref,
                out_ref):
    y = _norm_from_stats(t_ref[...], s_ref, gnp4_ref, float(NN))
    ut = lax.dot_general(w8_ref[...], p_ref[...], (((1,), (1,)), ((), ())),
                         preferred_element_type=jnp.float32)
    ut = ut + b8_ref[...]
    mr = jnp.mean(ut, axis=1, keepdims=True)
    o = ut - mr * gnp8_ref[:, 2:3]
    vr = jnp.mean(o * o, axis=1, keepdims=True)
    z = jnp.maximum(
        gnp8_ref[:, 0:1] * o * lax.rsqrt(vr + EPS) + gnp8_ref[:, 1:2], 0.0)
    out_ref[...] = y + z


def _final(t2, s2, gnp4, P, W8t, b8t, gnp8t):
    return pl.pallas_call(
        _final_body,
        grid=(_NB,),
        in_specs=[
            pl.BlockSpec((_RB, FF), lambda i: (i, 0)),
            pl.BlockSpec((2, FF), lambda i: (0, 0)),
            pl.BlockSpec((3, FF), lambda i: (0, 0)),
            pl.BlockSpec((FF, HH), lambda i: (0, 0)),
            pl.BlockSpec((_RB, HH), lambda i: (i, 0)),
            pl.BlockSpec((_RB, 1), lambda i: (i, 0)),
            pl.BlockSpec((_RB, 3), lambda i: (i, 0)),
        ],
        out_specs=pl.BlockSpec((_RB, FF), lambda i: (i, 0)),
        out_shape=jax.ShapeDtypeStruct((NN, FF), jnp.float32),
    )(t2, s2, gnp4, P, W8t, b8t, gnp8t)



def kernel(data, x, adj, x_t, adj_t, clustering,
           W1, b1, W4, b4, W5, b5, W8, b8,
           gn1_w, gn1_b, gn1_ms, gn4_w, gn4_b, gn4_ms,
           gn5_w, gn5_b, gn5_ms, gn8_w, gn8_b, gn8_ms):
    pad = jnp.full((EPAD - EE,), NN, dtype=jnp.int32)
    src2 = jnp.concatenate([adj[:, 0], pad]).reshape(NW * CPW, CHUNK)
    dst2 = jnp.concatenate([adj[:, 1], pad]).reshape(NW * CPW, CHUNK)
    ones = jnp.ones((CHUNK, DEGW), jnp.float32)
    zeros_deg = jnp.zeros((NP, DEGW), jnp.float32)
    zeros64 = jnp.zeros((NP, HH), jnp.float32)
    xpad = jnp.pad(x, ((0, NP - NN), (0, 0)))
    gnp1 = jnp.stack([gn1_w, gn1_b, gn1_ms])
    gnp4 = jnp.stack([gn4_w, gn4_b, gn4_ms])
    gnp5 = jnp.stack([gn5_w, gn5_b, gn5_ms])
    gnp8t = jnp.stack([gn8_w, gn8_b, gn8_ms], axis=1)
    srct = adj_t[:, 0:1]
    dstt = adj_t[:, 1:2]

    deg0, deg1 = _sc_degree(ones, dst2, zeros_deg)
    dinv = _dinv(deg0, deg1)

    h1p = _prescale_mm(xpad, W1, dinv, HH)
    a0, a1 = _sc_scatter(h1p, src2, dst2, zeros64, HH)
    t1, s1 = _combine(a0, a1, h1p, dinv, b1.reshape(1, HH), HH)

    u = _gn_scale(t1, s1, gnp1, dinv, HH)
    upad = jnp.pad(u, ((0, NP - NN), (0, 0)))
    a20, a21 = _sc_scatter(upad, src2, dst2, zeros64, HH)
    t2, s2 = _combine_mm(a20, a21, upad, dinv, W4,
                         b4.reshape(1, FF), HH, FF)

    P = _feature_branch(srct, dstt, x_t, W5, b5.reshape(1, HH), gnp5)

    return _final(t2, s2, gnp4, P, W8.T, b8.reshape(NN, 1), gnp8t)

# --- scband reference (transcript-rebuilt; emitter-appended) ---
"""Pipeline reference for scband-ae-gcn-26989574488381 (READ-ONLY COPY).

The authoritative reference and input builder live on the scoring server;
editing this copy changes nothing except your own understanding.
"""

import jax, jax.numpy as jnp
import numpy as np

N = 10000
F = 128
H2 = 64
H7 = 64
E = 320000
ET = 4096


def setup_inputs(seed: int = 0):
    key = jax.random.key(seed)
    ks = jax.random.split(key, 16)
    inp = {}
    inp['data'] = jax.random.normal(ks[0], (N, F), dtype=jnp.float32)
    inp['x'] = jax.random.normal(ks[1], (N, F), dtype=jnp.float32)
    inp['adj'] = jax.random.randint(ks[2], (E, 2), 0, N, dtype=jnp.int32)
    inp['x_t'] = jax.random.normal(ks[3], (F, N), dtype=jnp.float32)
    inp['adj_t'] = jax.random.randint(ks[4], (ET, 2), 0, F, dtype=jnp.int32)
    inp['clustering'] = 0
    # GCNConv weights (PyG convention: out = norm_agg(x @ W) + b)
    inp['W1'] = jax.random.normal(ks[5], (F, H2), dtype=jnp.float32) * 0.1
    inp['b1'] = jnp.zeros((H2,), dtype=jnp.float32)
    inp['W4'] = jax.random.normal(ks[6], (H2, F), dtype=jnp.float32) * 0.1
    inp['b4'] = jnp.zeros((F,), dtype=jnp.float32)
    inp['W5'] = jax.random.normal(ks[7], (N, H7), dtype=jnp.float32) * 0.02
    inp['b5'] = jnp.zeros((H7,), dtype=jnp.float32)
    inp['W8'] = jax.random.normal(ks[8], (H7, N), dtype=jnp.float32) * 0.02
    inp['b8'] = jnp.zeros((N,), dtype=jnp.float32)
    # GraphNorm params: weight, bias, mean_scale
    for nm, d in [('gn1', H2), ('gn4', F), ('gn5', H7), ('gn8', N)]:
        inp[nm + '_w'] = jnp.ones((d,), dtype=jnp.float32)
        inp[nm + '_b'] = jnp.zeros((d,), dtype=jnp.float32)
        inp[nm + '_ms'] = jnp.ones((d,), dtype=jnp.float32)
    return inp


def gcn_conv(x, edge_index, W, b, num_nodes):
    # PyG GCNConv with add_self_loops=True, symmetric normalization
    src = edge_index[0]
    dst = edge_index[1]
    loop = jnp.arange(num_nodes, dtype=src.dtype)
    src = jnp.concatenate([src, loop])
    dst = jnp.concatenate([dst, loop])
    deg = jnp.zeros((num_nodes,), dtype=x.dtype).at[dst].add(1.0)
    dinv = jnp.where(deg > 0, 1.0 / jnp.sqrt(deg), 0.0)
    norm = dinv[src] * dinv[dst]
    h = x @ W
    msg = h[src] * norm[:, None]
    out = jnp.zeros((num_nodes, h.shape[1]), dtype=h.dtype).at[dst].add(msg)
    return out + b


def graph_norm(x, w, b, ms, eps=1e-5):
    # PyG GraphNorm, single graph
    mean = jnp.mean(x, axis=0)
    out = x - mean * ms
    var = jnp.mean(out * out, axis=0)
    return w * out / jnp.sqrt(var + eps) + b


def reference(data, x, adj, x_t, adj_t, clustering,
              W1, b1, W4, b4, W5, b5, W8, b8,
              gn1_w, gn1_b, gn1_ms, gn4_w, gn4_b, gn4_ms,
              gn5_w, gn5_b, gn5_ms, gn8_w, gn8_b, gn8_ms):
    ei = adj.T
    ei_t = adj_t.T
    h = jax.nn.relu(graph_norm(gcn_conv(x, ei, W1, b1, N), gn1_w, gn1_b, gn1_ms))
    # dropout p=0.0 -> identity
    h = jax.nn.relu(graph_norm(gcn_conv(h, ei, W4, b4, N), gn4_w, gn4_b, gn4_ms))
    ht = jax.nn.relu(graph_norm(gcn_conv(x_t, ei_t, W5, b5, F), gn5_w, gn5_b, gn5_ms))
    ht = jax.nn.relu(graph_norm(gcn_conv(ht, ei_t, W8, b8, F), gn8_w, gn8_b, gn8_ms))
    res = h + ht.T
    # clustering is False (0): skip batch-norm branch
    return res

if __name__ == "__main__":
    import jax
    _d = setup_inputs()
    print(jax.jit(kernel)(*tuple(_d.values())))

</pallas_src>

<mosaic_0001>
#map = affine_map<(d0, d1) -> (0, 0)>
module attributes {stable_mosaic.version = 14 : i64} {
  func.func @k(%arg0: i32, %arg1: i32, %arg2: memref<128x8xf32, #tpu.memory_space<hbm>>, %arg3: memref<2560x128xi32, #tpu.memory_space<hbm>>, %arg4: memref<10112x8xf32, #tpu.memory_space<hbm>>, %arg5: memref<10112x8xf32, #tpu.memory_space<hbm>>, %arg6: memref<10112x8xf32, #tpu.memory_space<hbm>>, %arg7: memref<80x128xi32, #tpu.memory_space<vmem>>, %arg8: memref<128x8xf32, #tpu.memory_space<vmem>>, %arg9: memref<10112x8xf32, #tpu.memory_space<vmem_shared>>) attributes {dimension_semantics = [#tpu.dimension_semantics<core_parallel>, #tpu.dimension_semantics<subcore_parallel>], iteration_bounds = array<i64: 2, 16>, scalar_prefetch = 0 : i64, scratch_operands = 3 : i64, tpu.core_type = #tpu.core_type<sc_vector_subcore>, window_params = [{transform_indices = #map}, {transform_indices = #map}, {transform_indices = #map}, {transform_indices = #map}, {transform_indices = #map}]} {
    %mul3A = arith.constant 2 : i32
    %mul3A_0 = arith.muli %arg1, %mul3A : i32
    %add3A = arith.addi %mul3A_0, %arg0 : i32
    %mul3A_1 = arith.constant 80 : i32
    %mul3A_2 = arith.muli %add3A, %mul3A_1 : i32
    "tpu.region"() ({
      %run_scoped3A = tpu.sem_alloc : memref<!tpu.dma_semaphore, #tpu.memory_space<semaphore_mem>>
      %dma_start3A = arith.constant 0 : i32
      %dma_start3A_20 = tpu.memref_slice %arg3[%mul3A_2, %dma_start3A] : memref<2560x128xi32, #tpu.memory_space<hbm>> -> memref<80x128xi32, #tpu.memory_space<hbm>>
      %dma_start3A_21 = arith.constant 0 : i32
      %dma_start3A_22 = tpu.memref_slice %arg3[%mul3A_2, %dma_start3A_21] : memref<2560x128xi32, #tpu.memory_space<hbm>> -> memref<80x128xi32, #tpu.memory_space<hbm>>
      tpu.enqueue_dma source(%dma_start3A_22 : memref<80x128xi32, #tpu.memory_space<hbm>>) target(%arg7 : memref<80x128xi32, #tpu.memory_space<vmem>>) target_semaphore(%run_scoped3A : memref<!tpu.dma_semaphore, #tpu.memory_space<semaphore_mem>>)
      %dma_wait3A = arith.constant 0 : i32
      %dma_wait3A_23 = tpu.memref_slice %arg3[%mul3A_2, %dma_wait3A] : memref<2560x128xi32, #tpu.memory_space<hbm>> -> memref<80x128xi32, #tpu.memory_space<hbm>>
      %dma_wait3A_24 = arith.constant 0 : i32
      %dma_wait3A_25 = tpu.memref_slice %arg3[%mul3A_2, %dma_wait3A_24] : memref<2560x128xi32, #tpu.memory_space<hbm>> -> memref<80x128xi32, #tpu.memory_space<hbm>>
      tpu.wait_dma2 semaphore(%run_scoped3A : memref<!tpu.dma_semaphore, #tpu.memory_space<semaphore_mem>>) src(%dma_wait3A_25 : memref<80x128xi32, #tpu.memory_space<hbm>>) dst(%arg7 : memref<80x128xi32, #tpu.memory_space<vmem>>)
      tpu.yield
    }) : () -> ()
    "tpu.region"() ({
      %run_scoped3A = tpu.sem_alloc : memref<!tpu.dma_semaphore, #tpu.memory_space<semaphore_mem>>
      tpu.enqueue_dma source(%arg2 : memref<128x8xf32, #tpu.memory_space<hbm>>) target(%arg8 : memref<128x8xf32, #tpu.memory_space<vmem>>) target_semaphore(%run_scoped3A : memref<!tpu.dma_semaphore, #tpu.memory_space<semaphore_mem>>)
      tpu.wait_dma2 semaphore(%run_scoped3A : memref<!tpu.dma_semaphore, #tpu.memory_space<semaphore_mem>>) src(%arg2 : memref<128x8xf32, #tpu.memory_space<hbm>>) dst(%arg8 : memref<128x8xf32, #tpu.memory_space<vmem>>)
      tpu.yield
    }) : () -> ()
    %mul3A_3 = arith.constant 632 : i32
    %mul3A_4 = arith.muli %arg1, %mul3A_3 : i32
    %mul3A_5 = arith.constant 632 : i32
    %mul3A_6 = arith.muli %arg1, %mul3A_5 : i32
    "tpu.region"() ({
      %run_scoped3A = tpu.sem_alloc : memref<!tpu.dma_semaphore, #tpu.memory_space<semaphore_mem>>
      %dma_start3A = arith.constant 0 : i32
      %dma_start3A_20 = tpu.memref_slice %arg9[%mul3A_6, %dma_start3A] : memref<10112x8xf32, #tpu.memory_space<vmem_shared>> -> memref<632x8xf32, #tpu.memory_space<vmem_shared>>
      %dma_start3A_21 = arith.constant 0 : i32
      %dma_start3A_22 = tpu.memref_slice %arg4[%mul3A_4, %dma_start3A_21] : memref<10112x8xf32, #tpu.memory_space<hbm>> -> memref<632x8xf32, #tpu.memory_space<hbm>>
      tpu.enqueue_dma source(%dma_start3A_22 : memref<632x8xf32, #tpu.memory_space<hbm>>) target(%dma_start3A_20 : memref<632x8xf32, #tpu.memory_space<vmem_shared>>) target_semaphore(%run_scoped3A : memref<!tpu.dma_semaphore, #tpu.memory_space<semaphore_mem>>)
      %dma_wait3A = arith.constant 0 : i32
      %dma_wait3A_23 = tpu.memref_slice %arg9[%mul3A_6, %dma_wait3A] : memref<10112x8xf32, #tpu.memory_space<vmem_shared>> -> memref<632x8xf32, #tpu.memory_space<vmem_shared>>
      %dma_wait3A_24 = arith.constant 0 : i32
      %dma_wait3A_25 = tpu.memref_slice %arg4[%mul3A_4, %dma_wait3A_24] : memref<10112x8xf32, #tpu.memory_space<hbm>> -> memref<632x8xf32, #tpu.memory_space<hbm>>
      tpu.wait_dma2 semaphore(%run_scoped3A : memref<!tpu.dma_semaphore, #tpu.memory_space<semaphore_mem>>) src(%dma_wait3A_25 : memref<632x8xf32, #tpu.memory_space<hbm>>) dst(%dma_wait3A_23 : memref<632x8xf32, #tpu.memory_space<vmem_shared>>)
      tpu.yield
    }) : () -> ()
    %barrier3A = arith.constant 0 : index
    tpu.barrier barrier_id(%barrier3A)
    %scan3A = arith.constant 0 : i32
    %scan3A_7 = arith.constant 0 : i32
    %scan3A_8 = arith.constant 80 : i32
    %scan3A_9 = arith.addi %scan3A_7, %scan3A_8 : i32
    %scan3A_10 = arith.constant 1 : i32
    scf.for %scan3A_20 = %scan3A_7 to %scan3A_9 step %scan3A_10  : i32 {
      "tpu.region"() ({
        %run_scoped3A = tpu.sem_alloc : memref<!tpu.dma_semaphore, #tpu.memory_space<semaphore_mem>>
        %dma_start3A = arith.constant 0 : i32
        %dma_start3A_21 = tpu.memref_slice %arg7[%scan3A_20, %dma_start3A] : memref<80x128xi32, #tpu.memory_space<vmem>> -> memref<1x128xi32, #tpu.memory_space<vmem>>
        %dma_start3A_22 = tpu.memref_squeeze %dma_start3A_21 : memref<1x128xi32, #tpu.memory_space<vmem>> -> memref<128xi32, #tpu.memory_space<vmem>>
        %dma_start3A_23 = arith.constant 0 : i32
        %dma_start3A_24 = arith.constant 0 : i32
        %dma_start3A_25 = tpu.memref_slice %arg9[%dma_start3A_23, %dma_start3A_24] : memref<10112x8xf32, #tpu.memory_space<vmem_shared>> -> memref<10112x8xf32, #tpu.memory_space<vmem_shared>>
        tpu.enqueue_indirect_dma source(%arg8 : memref<128x8xf32, #tpu.memory_space<vmem>>) target(%dma_start3A_25 : memref<10112x8xf32, #tpu.memory_space<vmem_shared>>) offsets(%dma_start3A_22 : memref<128xi32, #tpu.memory_space<vmem>>) semaphore(%run_scoped3A : memref<!tpu.dma_semaphore, #tpu.memory_space<semaphore_mem>>) {add = true}
        %dma_wait3A = arith.constant 0 : i32
        %dma_wait3A_26 = tpu.memref_slice %arg7[%scan3A_20, %dma_wait3A] : memref<80x128xi32, #tpu.memory_space<vmem>> -> memref<1x128xi32, #tpu.memory_space<vmem>>
        %dma_wait3A_27 = tpu.memref_squeeze %dma_wait3A_26 : memref<1x128xi32, #tpu.memory_space<vmem>> -> memref<128xi32, #tpu.memory_space<vmem>>
        %dma_wait3A_28 = arith.constant 0 : i32
        %dma_wait3A_29 = arith.constant 0 : i32
        %dma_wait3A_30 = tpu.memref_slice %arg9[%dma_wait3A_28, %dma_wait3A_29] : memref<10112x8xf32, #tpu.memory_space<vmem_shared>> -> memref<10112x8xf32, #tpu.memory_space<vmem_shared>>
        tpu.wait_indirect_dma semaphore(%run_scoped3A : memref<!tpu.dma_semaphore, #tpu.memory_space<semaphore_mem>>) src(%arg8 : memref<128x8xf32, #tpu.memory_space<vmem>>) dst(%dma_wait3A_30 : memref<10112x8xf32, #tpu.memory_space<vmem_shared>>)
        tpu.yield
      }) : () -> ()
    }
    %scan3A_11 = arith.constant 80 : i32
    %barrier3A_12 = arith.constant 0 : index
    tpu.barrier barrier_id(%barrier3A_12)
    %eq3A = arith.constant 0 : i32
    %eq3A_13 = arith.cmpi eq, %arg0, %eq3A : i32
    %convert_element_type3A = arith.extui %eq3A_13 : i1 to i32
    %cond3A = arith.constant 0 : i32
    %cond3A_14 = arith.cmpi ne, %convert_element_type3A, %cond3A : i32
    scf.if %cond3A_14 {
      %mul3A_20 = arith.constant 632 : i32
      %mul3A_21 = arith.muli %arg1, %mul3A_20 : i32
      %mul3A_22 = arith.constant 632 : i32
      %mul3A_23 = arith.muli %arg1, %mul3A_22 : i32
      "tpu.region"() ({
        %run_scoped3A = tpu.sem_alloc : memref<!tpu.dma_semaphore, #tpu.memory_space<semaphore_mem>>
        %dma_start3A = arith.constant 0 : i32
        %dma_start3A_24 = tpu.memref_slice %arg5[%mul3A_23, %dma_start3A] : memref<10112x8xf32, #tpu.memory_space<hbm>> -> memref<632x8xf32, #tpu.memory_space<hbm>>
        %dma_start3A_25 = arith.constant 0 : i32
        %dma_start3A_26 = tpu.memref_slice %arg9[%mul3A_21, %dma_start3A_25] : memref<10112x8xf32, #tpu.memory_space<vmem_shared>> -> memref<632x8xf32, #tpu.memory_space<vmem_shared>>
        tpu.enqueue_dma source(%dma_start3A_26 : memref<632x8xf32, #tpu.memory_space<vmem_shared>>) target(%dma_start3A_24 : memref<632x8xf32, #tpu.memory_space<hbm>>) target_semaphore(%run_scoped3A : memref<!tpu.dma_semaphore, #tpu.memory_space<semaphore_mem>>)
        %dma_wait3A = arith.constant 0 : i32
        %dma_wait3A_27 = tpu.memref_slice %arg5[%mul3A_23, %dma_wait3A] : memref<10112x8xf32, #tpu.memory_space<hbm>> -> memref<632x8xf32, #tpu.memory_space<hbm>>
        %dma_wait3A_28 = arith.constant 0 : i32
        %dma_wait3A_29 = tpu.memref_slice %arg9[%mul3A_21, %dma_wait3A_28] : memref<10112x8xf32, #tpu.memory_space<vmem_shared>> -> memref<632x8xf32, #tpu.memory_space<vmem_shared>>
        tpu.wait_dma2 semaphore(%run_scoped3A : memref<!tpu.dma_semaphore, #tpu.memory_space<semaphore_mem>>) src(%dma_wait3A_29 : memref<632x8xf32, #tpu.memory_space<vmem_shared>>) dst(%dma_wait3A_27 : memref<632x8xf32, #tpu.memory_space<hbm>>)
        tpu.yield
      }) : () -> ()
    } else {
    }
    %eq3A_15 = arith.constant 1 : i32
    %eq3A_16 = arith.cmpi eq, %arg0, %eq3A_15 : i32
    %convert_element_type3A_17 = arith.extui %eq3A_16 : i1 to i32
    %cond3A_18 = arith.constant 0 : i32
    %cond3A_19 = arith.cmpi ne, %convert_element_type3A_17, %cond3A_18 : i32
    scf.if %cond3A_19 {
      %mul3A_20 = arith.constant 632 : i32
      %mul3A_21 = arith.muli %arg1, %mul3A_20 : i32
      %mul3A_22 = arith.constant 632 : i32
      %mul3A_23 = arith.muli %arg1, %mul3A_22 : i32
      "tpu.region"() ({
        %run_scoped3A = tpu.sem_alloc : memref<!tpu.dma_semaphore, #tpu.memory_space<semaphore_mem>>
        %dma_start3A = arith.constant 0 : i32
        %dma_start3A_24 = tpu.memref_slice %arg6[%mul3A_23, %dma_start3A] : memref<10112x8xf32, #tpu.memory_space<hbm>> -> memref<632x8xf32, #tpu.memory_space<hbm>>
        %dma_start3A_25 = arith.constant 0 : i32
        %dma_start3A_26 = tpu.memref_slice %arg9[%mul3A_21, %dma_start3A_25] : memref<10112x8xf32, #tpu.memory_space<vmem_shared>> -> memref<632x8xf32, #tpu.memory_space<vmem_shared>>
        tpu.enqueue_dma source(%dma_start3A_26 : memref<632x8xf32, #tpu.memory_space<vmem_shared>>) target(%dma_start3A_24 : memref<632x8xf32, #tpu.memory_space<hbm>>) target_semaphore(%run_scoped3A : memref<!tpu.dma_semaphore, #tpu.memory_space<semaphore_mem>>)
        %dma_wait3A = arith.constant 0 : i32
        %dma_wait3A_27 = tpu.memref_slice %arg6[%mul3A_23, %dma_wait3A] : memref<10112x8xf32, #tpu.memory_space<hbm>> -> memref<632x8xf32, #tpu.memory_space<hbm>>
        %dma_wait3A_28 = arith.constant 0 : i32
        %dma_wait3A_29 = tpu.memref_slice %arg9[%mul3A_21, %dma_wait3A_28] : memref<10112x8xf32, #tpu.memory_space<vmem_shared>> -> memref<632x8xf32, #tpu.memory_space<vmem_shared>>
        tpu.wait_dma2 semaphore(%run_scoped3A : memref<!tpu.dma_semaphore, #tpu.memory_space<semaphore_mem>>) src(%dma_wait3A_29 : memref<632x8xf32, #tpu.memory_space<vmem_shared>>) dst(%dma_wait3A_27 : memref<632x8xf32, #tpu.memory_space<hbm>>)
        tpu.yield
      }) : () -> ()
    } else {
    }
    return
  }
}

#map = affine_map<(d0, d1) -> (0, 0)>
module attributes {stable_mosaic.version = 14 : i64} {
  func.func @k(%arg0: i32, %arg1: i32, %arg2: memref<10112x64xf32, #tpu.memory_space<hbm>>, %arg3: memref<2560x128xi32, #tpu.memory_space<hbm>>, %arg4: memref<2560x128xi32, #tpu.memory_space<hbm>>, %arg5: memref<10112x64xf32, #tpu.memory_space<hbm>>, %arg6: memref<10112x64xf32, #tpu.memory_space<hbm>>, %arg7: memref<10112x64xf32, #tpu.memory_space<hbm>>, %arg8: memref<80x128xi32, #tpu.memory_space<vmem>>, %arg9: memref<80x128xi32, #tpu.memory_space<vmem>>, %arg10: memref<128x64xf32, #tpu.memory_space<vmem>>, %arg11: memref<128x64xf32, #tpu.memory_space<vmem>>, %arg12: memref<10112x64xf32, #tpu.memory_space<vmem_shared>>, %arg13: memref<!tpu.dma_semaphore, #tpu.memory_space<semaphore_mem>>, %arg14: memref<!tpu.dma_semaphore, #tpu.memory_space<semaphore_mem>>) attributes {dimension_semantics = [#tpu.dimension_semantics<core_parallel>, #tpu.dimension_semantics<subcore_parallel>], iteration_bounds = array<i64: 2, 16>, scalar_prefetch = 0 : i64, scratch_operands = 7 : i64, tpu.core_type = #tpu.core_type<sc_vector_subcore>, window_params = [{transform_indices = #map}, {transform_indices = #map}, {transform_indices = #map}, {transform_indices = #map}, {transform_indices = #map}, {transform_indices = #map}]} {
    %mul3A = arith.constant 2 : i32
    %mul3A_0 = arith.muli %arg1, %mul3A : i32
    %add3A = arith.addi %mul3A_0, %arg0 : i32
    %mul3A_1 = arith.constant 80 : i32
    %mul3A_2 = arith.muli %add3A, %mul3A_1 : i32
    "tpu.region"() ({
      %run_scoped3A = tpu.sem_alloc : memref<!tpu.dma_semaphore, #tpu.memory_space<semaphore_mem>>
      %dma_start3A_28 = arith.constant 0 : i32
      %dma_start3A_29 = tpu.memref_slice %arg3[%mul3A_2, %dma_start3A_28] : memref<2560x128xi32, #tpu.memory_space<hbm>> -> memref<80x128xi32, #tpu.memory_space<hbm>>
      %dma_start3A_30 = arith.constant 0 : i32
      %dma_start3A_31 = tpu.memref_slice %arg3[%mul3A_2, %dma_start3A_30] : memref<2560x128xi32, #tpu.memory_space<hbm>> -> memref<80x128xi32, #tpu.memory_space<hbm>>
      tpu.enqueue_dma source(%dma_start3A_31 : memref<80x128xi32, #tpu.memory_space<hbm>>) target(%arg8 : memref<80x128xi32, #tpu.memory_space<vmem>>) target_semaphore(%run_scoped3A : memref<!tpu.dma_semaphore, #tpu.memory_space<semaphore_mem>>)
      %dma_wait3A = arith.constant 0 : i32
      %dma_wait3A_32 = tpu.memref_slice %arg3[%mul3A_2, %dma_wait3A] : memref<2560x128xi32, #tpu.memory_space<hbm>> -> memref<80x128xi32, #tpu.memory_space<hbm>>
      %dma_wait3A_33 = arith.constant 0 : i32
      %dma_wait3A_34 = tpu.memref_slice %arg3[%mul3A_2, %dma_wait3A_33] : memref<2560x128xi32, #tpu.memory_space<hbm>> -> memref<80x128xi32, #tpu.memory_space<hbm>>
      tpu.wait_dma2 semaphore(%run_scoped3A : memref<!tpu.dma_semaphore, #tpu.memory_space<semaphore_mem>>) src(%dma_wait3A_34 : memref<80x128xi32, #tpu.memory_space<hbm>>) dst(%arg8 : memref<80x128xi32, #tpu.memory_space<vmem>>)
      tpu.yield
    }) : () -> ()
    %mul3A_3 = arith.constant 80 : i32
    %mul3A_4 = arith.muli %add3A, %mul3A_3 : i32
    "tpu.region"() ({
      %run_scoped3A = tpu.sem_alloc : memref<!tpu.dma_semaphore, #tpu.memory_space<semaphore_mem>>
      %dma_start3A_28 = arith.constant 0 : i32
      %dma_start3A_29 = tpu.memref_slice %arg4[%mul3A_4, %dma_start3A_28] : memref<2560x128xi32, #tpu.memory_space<hbm>> -> memref<80x128xi32, #tpu.memory_space<hbm>>
      %dma_start3A_30 = arith.constant 0 : i32
      %dma_start3A_31 = tpu.memref_slice %arg4[%mul3A_4, %dma_start3A_30] : memref<2560x128xi32, #tpu.memory_space<hbm>> -> memref<80x128xi32, #tpu.memory_space<hbm>>
      tpu.enqueue_dma source(%dma_start3A_31 : memref<80x128xi32, #tpu.memory_space<hbm>>) target(%arg9 : memref<80x128xi32, #tpu.memory_space<vmem>>) target_semaphore(%run_scoped3A : memref<!tpu.dma_semaphore, #tpu.memory_space<semaphore_mem>>)
      %dma_wait3A = arith.constant 0 : i32
      %dma_wait3A_32 = tpu.memref_slice %arg4[%mul3A_4, %dma_wait3A] : memref<2560x128xi32, #tpu.memory_space<hbm>> -> memref<80x128xi32, #tpu.memory_space<hbm>>
      %dma_wait3A_33 = arith.constant 0 : i32
      %dma_wait3A_34 = tpu.memref_slice %arg4[%mul3A_4, %dma_wait3A_33] : memref<2560x128xi32, #tpu.memory_space<hbm>> -> memref<80x128xi32, #tpu.memory_space<hbm>>
      tpu.wait_dma2 semaphore(%run_scoped3A : memref<!tpu.dma_semaphore, #tpu.memory_space<semaphore_mem>>) src(%dma_wait3A_34 : memref<80x128xi32, #tpu.memory_space<hbm>>) dst(%arg9 : memref<80x128xi32, #tpu.memory_space<vmem>>)
      tpu.yield
    }) : () -> ()
    %mul3A_5 = arith.constant 632 : i32
    %mul3A_6 = arith.muli %arg1, %mul3A_5 : i32
    %mul3A_7 = arith.constant 632 : i32
    %mul3A_8 = arith.muli %arg1, %mul3A_7 : i32
    "tpu.region"() ({
      %run_scoped3A = tpu.sem_alloc : memref<!tpu.dma_semaphore, #tpu.memory_space<semaphore_mem>>
      %dma_start3A_28 = arith.constant 0 : i32
      %dma_start3A_29 = tpu.memref_slice %arg12[%mul3A_8, %dma_start3A_28] : memref<10112x64xf32, #tpu.memory_space<vmem_shared>> -> memref<632x64xf32, #tpu.memory_space<vmem_shared>>
      %dma_start3A_30 = arith.constant 0 : i32
      %dma_start3A_31 = tpu.memref_slice %arg5[%mul3A_6, %dma_start3A_30] : memref<10112x64xf32, #tpu.memory_space<hbm>> -> memref<632x64xf32, #tpu.memory_space<hbm>>
      tpu.enqueue_dma source(%dma_start3A_31 : memref<632x64xf32, #tpu.memory_space<hbm>>) target(%dma_start3A_29 : memref<632x64xf32, #tpu.memory_space<vmem_shared>>) target_semaphore(%run_scoped3A : memref<!tpu.dma_semaphore, #tpu.memory_space<semaphore_mem>>)
      %dma_wait3A = arith.constant 0 : i32
      %dma_wait3A_32 = tpu.memref_slice %arg12[%mul3A_8, %dma_wait3A] : memref<10112x64xf32, #tpu.memory_space<vmem_shared>> -> memref<632x64xf32, #tpu.memory_space<vmem_shared>>
      %dma_wait3A_33 = arith.constant 0 : i32
      %dma_wait3A_34 = tpu.memref_slice %arg5[%mul3A_6, %dma_wait3A_33] : memref<10112x64xf32, #tpu.memory_space<hbm>> -> memref<632x64xf32, #tpu.memory_space<hbm>>
      tpu.wait_dma2 semaphore(%run_scoped3A : memref<!tpu.dma_semaphore, #tpu.memory_space<semaphore_mem>>) src(%dma_wait3A_34 : memref<632x64xf32, #tpu.memory_space<hbm>>) dst(%dma_wait3A_32 : memref<632x64xf32, #tpu.memory_space<vmem_shared>>)
      tpu.yield
    }) : () -> ()
    %barrier3A = arith.constant 0 : index
    tpu.barrier barrier_id(%barrier3A)
    %dma_start3A = arith.constant 0 : i32
    %dma_start3A_9 = arith.constant 0 : i32
    %dma_start3A_10 = tpu.memref_slice %arg8[%dma_start3A, %dma_start3A_9] : memref<80x128xi32, #tpu.memory_space<vmem>> -> memref<1x128xi32, #tpu.memory_space<vmem>>
    %dma_start3A_11 = tpu.memref_squeeze %dma_start3A_10 : memref<1x128xi32, #tpu.memory_space<vmem>> -> memref<128xi32, #tpu.memory_space<vmem>>
    %dma_start3A_12 = arith.constant 0 : i32
    %dma_start3A_13 = arith.constant 0 : i32
    %dma_start3A_14 = tpu.memref_slice %arg2[%dma_start3A_12, %dma_start3A_13] : memref<10112x64xf32, #tpu.memory_space<hbm>> -> memref<10112x64xf32, #tpu.memory_space<hbm>>
    tpu.enqueue_indirect_dma source(%dma_start3A_14 : memref<10112x64xf32, #tpu.memory_space<hbm>>) target(%arg10 : memref<128x64xf32, #tpu.memory_space<vmem>>) offsets(%dma_start3A_11 : memref<128xi32, #tpu.memory_space<vmem>>) semaphore(%arg13 : memref<!tpu.dma_semaphore, #tpu.memory_space<semaphore_mem>>)
    %scan3A = arith.constant 0 : i32
    %scan3A_15 = arith.constant 0 : i32
    %scan3A_16 = arith.constant 40 : i32
    %scan3A_17 = arith.addi %scan3A_15, %scan3A_16 : i32
    %scan3A_18 = arith.constant 1 : i32
    scf.for %scan3A_28 = %scan3A_15 to %scan3A_17 step %scan3A_18  : i32 {
      %mul3A_29 = arith.constant 2 : i32
      %mul3A_30 = arith.muli %scan3A_28, %mul3A_29 : i32
      %add3A_31 = arith.constant 0 : i32
      %add3A_32 = arith.addi %mul3A_30, %add3A_31 : i32
      %dma_wait3A = arith.constant 0 : i32
      %dma_wait3A_33 = arith.constant 0 : i32
      %dma_wait3A_34 = tpu.memref_slice %arg8[%dma_wait3A, %dma_wait3A_33] : memref<80x128xi32, #tpu.memory_space<vmem>> -> memref<1x128xi32, #tpu.memory_space<vmem>>
      %dma_wait3A_35 = tpu.memref_squeeze %dma_wait3A_34 : memref<1x128xi32, #tpu.memory_space<vmem>> -> memref<128xi32, #tpu.memory_space<vmem>>
      %dma_wait3A_36 = arith.constant 0 : i32
      %dma_wait3A_37 = arith.constant 0 : i32
      %dma_wait3A_38 = tpu.memref_slice %arg2[%dma_wait3A_36, %dma_wait3A_37] : memref<10112x64xf32, #tpu.memory_space<hbm>> -> memref<10112x64xf32, #tpu.memory_space<hbm>>
      tpu.wait_indirect_dma semaphore(%arg13 : memref<!tpu.dma_semaphore, #tpu.memory_space<semaphore_mem>>) src(%dma_wait3A_38 : memref<10112x64xf32, #tpu.memory_space<hbm>>) dst(%arg10 : memref<128x64xf32, #tpu.memory_space<vmem>>)
      %add3A_39 = arith.constant 1 : i32
      %add3A_40 = arith.addi %add3A_32, %add3A_39 : i32
      %lt3A = arith.constant 80 : i32
      %lt3A_41 = arith.cmpi slt, %add3A_40, %lt3A : i32
      %convert_element_type3A_42 = arith.extui %lt3A_41 : i1 to i32
      %cond3A_43 = arith.constant 0 : i32
      %cond3A_44 = arith.cmpi ne, %convert_element_type3A_42, %cond3A_43 : i32
      scf.if %cond3A_44 {
        %add3A_63 = arith.constant 1 : i32
        %add3A_64 = arith.addi %add3A_32, %add3A_63 : i32
        %dma_start3A_65 = arith.constant 0 : i32
        %dma_start3A_66 = tpu.memref_slice %arg8[%add3A_64, %dma_start3A_65] : memref<80x128xi32, #tpu.memory_space<vmem>> -> memref<1x128xi32, #tpu.memory_space<vmem>>
        %dma_start3A_67 = tpu.memref_squeeze %dma_start3A_66 : memref<1x128xi32, #tpu.memory_space<vmem>> -> memref<128xi32, #tpu.memory_space<vmem>>
        %dma_start3A_68 = arith.constant 0 : i32
        %dma_start3A_69 = arith.constant 0 : i32
        %dma_start3A_70 = tpu.memref_slice %arg2[%dma_start3A_68, %dma_start3A_69] : memref<10112x64xf32, #tpu.memory_space<hbm>> -> memref<10112x64xf32, #tpu.memory_space<hbm>>
        tpu.enqueue_indirect_dma source(%dma_start3A_70 : memref<10112x64xf32, #tpu.memory_space<hbm>>) target(%arg11 : memref<128x64xf32, #tpu.memory_space<vmem>>) offsets(%dma_start3A_67 : memref<128xi32, #tpu.memory_space<vmem>>) semaphore(%arg14 : memref<!tpu.dma_semaphore, #tpu.memory_space<semaphore_mem>>)
      } else {
      }
      "tpu.region"() ({
        %run_scoped3A = tpu.sem_alloc : memref<!tpu.dma_semaphore, #tpu.memory_space<semaphore_mem>>
        %dma_start3A_63 = arith.constant 0 : i32
        %dma_start3A_64 = tpu.memref_slice %arg9[%add3A_32, %dma_start3A_63] : memref<80x128xi32, #tpu.memory_space<vmem>> -> memref<1x128xi32, #tpu.memory_space<vmem>>
        %dma_start3A_65 = tpu.memref_squeeze %dma_start3A_64 : memref<1x128xi32, #tpu.memory_space<vmem>> -> memref<128xi32, #tpu.memory_space<vmem>>
        %dma_start3A_66 = arith.constant 0 : i32
        %dma_start3A_67 = arith.constant 0 : i32
        %dma_start3A_68 = tpu.memref_slice %arg12[%dma_start3A_66, %dma_start3A_67] : memref<10112x64xf32, #tpu.memory_space<vmem_shared>> -> memref<10112x64xf32, #tpu.memory_space<vmem_shared>>
        tpu.enqueue_indirect_dma source(%arg10 : memref<128x64xf32, #tpu.memory_space<vmem>>) target(%dma_start3A_68 : memref<10112x64xf32, #tpu.memory_space<vmem_shared>>) offsets(%dma_start3A_65 : memref<128xi32, #tpu.memory_space<vmem>>) semaphore(%run_scoped3A : memref<!tpu.dma_semaphore, #tpu.memory_space<semaphore_mem>>) {add = true}
        %dma_wait3A_69 = arith.constant 0 : i32
        %dma_wait3A_70 = tpu.memref_slice %arg9[%add3A_32, %dma_wait3A_69] : memref<80x128xi32, #tpu.memory_space<vmem>> -> memref<1x128xi32, #tpu.memory_space<vmem>>
        %dma_wait3A_71 = tpu.memref_squeeze %dma_wait3A_70 : memref<1x128xi32, #tpu.memory_space<vmem>> -> memref<128xi32, #tpu.memory_space<vmem>>
        %dma_wait3A_72 = arith.constant 0 : i32
        %dma_wait3A_73 = arith.constant 0 : i32
        %dma_wait3A_74 = tpu.memref_slice %arg12[%dma_wait3A_72, %dma_wait3A_73] : memref<10112x64xf32, #tpu.memory_space<vmem_shared>> -> memref<10112x64xf32, #tpu.memory_space<vmem_shared>>
        tpu.wait_indirect_dma semaphore(%run_scoped3A : memref<!tpu.dma_semaphore, #tpu.memory_space<semaphore_mem>>) src(%arg10 : memref<128x64xf32, #tpu.memory_space<vmem>>) dst(%dma_wait3A_74 : memref<10112x64xf32, #tpu.memory_space<vmem_shared>>)
        tpu.yield
      }) : () -> ()
      %mul3A_45 = arith.constant 2 : i32
      %mul3A_46 = arith.muli %scan3A_28, %mul3A_45 : i32
      %add3A_47 = arith.constant 1 : i32
      %add3A_48 = arith.addi %mul3A_46, %add3A_47 : i32
      %dma_wait3A_49 = arith.constant 0 : i32
      %dma_wait3A_50 = arith.constant 0 : i32
      %dma_wait3A_51 = tpu.memref_slice %arg8[%dma_wait3A_49, %dma_wait3A_50] : memref<80x128xi32, #tpu.memory_space<vmem>> -> memref<1x128xi32, #tpu.memory_space<vmem>>
      %dma_wait3A_52 = tpu.memref_squeeze %dma_wait3A_51 : memref<1x128xi32, #tpu.memory_space<vmem>> -> memref<128xi32, #tpu.memory_space<vmem>>
      %dma_wait3A_53 = arith.constant 0 : i32
      %dma_wait3A_54 = arith.constant 0 : i32
      %dma_wait3A_55 = tpu.memref_slice %arg2[%dma_wait3A_53, %dma_wait3A_54] : memref<10112x64xf32, #tpu.memory_space<hbm>> -> memref<10112x64xf32, #tpu.memory_space<hbm>>
      tpu.wait_indirect_dma semaphore(%arg14 : memref<!tpu.dma_semaphore, #tpu.memory_space<semaphore_mem>>) src(%dma_wait3A_55 : memref<10112x64xf32, #tpu.memory_space<hbm>>) dst(%arg11 : memref<128x64xf32, #tpu.memory_space<vmem>>)
      %add3A_56 = arith.constant 1 : i32
      %add3A_57 = arith.addi %add3A_48, %add3A_56 : i32
      %lt3A_58 = arith.constant 80 : i32
      %lt3A_59 = arith.cmpi slt, %add3A_57, %lt3A_58 : i32
      %convert_element_type3A_60 = arith.extui %lt3A_59 : i1 to i32
      %cond3A_61 = arith.constant 0 : i32
      %cond3A_62 = arith.cmpi ne, %convert_element_type3A_60, %cond3A_61 : i32
      scf.if %cond3A_62 {
        %add3A_63 = arith.constant 1 : i32
        %add3A_64 = arith.addi %add3A_48, %add3A_63 : i32
        %dma_start3A_65 = arith.constant 0 : i32
        %dma_start3A_66 = tpu.memref_slice %arg8[%add3A_64, %dma_start3A_65] : memref<80x128xi32, #tpu.memory_space<vmem>> -> memref<1x128xi32, #tpu.memory_space<vmem>>
        %dma_start3A_67 = tpu.memref_squeeze %dma_start3A_66 : memref<1x128xi32, #tpu.memory_space<vmem>> -> memref<128xi32, #tpu.memory_space<vmem>>
        %dma_start3A_68 = arith.constant 0 : i32
        %dma_start3A_69 = arith.constant 0 : i32
        %dma_start3A_70 = tpu.memref_slice %arg2[%dma_start3A_68, %dma_start3A_69] : memref<10112x64xf32, #tpu.memory_space<hbm>> -> memref<10112x64xf32, #tpu.memory_space<hbm>>
        tpu.enqueue_indirect_dma source(%dma_start3A_70 : memref<10112x64xf32, #tpu.memory_space<hbm>>) target(%arg10 : memref<128x64xf32, #tpu.memory_space<vmem>>) offsets(%dma_start3A_67 : memref<128xi32, #tpu.memory_space<vmem>>) semaphore(%arg13 : memref<!tpu.dma_semaphore, #tpu.memory_space<semaphore_mem>>)
      } else {
      }
      "tpu.region"() ({
        %run_scoped3A = tpu.sem_alloc : memref<!tpu.dma_semaphore, #tpu.memory_space<semaphore_mem>>
        %dma_start3A_63 = arith.constant 0 : i32
        %dma_start3A_64 = tpu.memref_slice %arg9[%add3A_48, %dma_start3A_63] : memref<80x128xi32, #tpu.memory_space<vmem>> -> memref<1x128xi32, #tpu.memory_space<vmem>>
        %dma_start3A_65 = tpu.memref_squeeze %dma_start3A_64 : memref<1x128xi32, #tpu.memory_space<vmem>> -> memref<128xi32, #tpu.memory_space<vmem>>
        %dma_start3A_66 = arith.constant 0 : i32
        %dma_start3A_67 = arith.constant 0 : i32
        %dma_start3A_68 = tpu.memref_slice %arg12[%dma_start3A_66, %dma_start3A_67] : memref<10112x64xf32, #tpu.memory_space<vmem_shared>> -> memref<10112x64xf32, #tpu.memory_space<vmem_shared>>
        tpu.enqueue_indirect_dma source(%arg11 : memref<128x64xf32, #tpu.memory_space<vmem>>) target(%dma_start3A_68 : memref<10112x64xf32, #tpu.memory_space<vmem_shared>>) offsets(%dma_start3A_65 : memref<128xi32, #tpu.memory_space<vmem>>) semaphore(%run_scoped3A : memref<!tpu.dma_semaphore, #tpu.memory_space<semaphore_mem>>) {add = true}
        %dma_wait3A_69 = arith.constant 0 : i32
        %dma_wait3A_70 = tpu.memref_slice %arg9[%add3A_48, %dma_wait3A_69] : memref<80x128xi32, #tpu.memory_space<vmem>> -> memref<1x128xi32, #tpu.memory_space<vmem>>
        %dma_wait3A_71 = tpu.memref_squeeze %dma_wait3A_70 : memref<1x128xi32, #tpu.memory_space<vmem>> -> memref<128xi32, #tpu.memory_space<vmem>>
        %dma_wait3A_72 = arith.constant 0 : i32
        %dma_wait3A_73 = arith.constant 0 : i32
        %dma_wait3A_74 = tpu.memref_slice %arg12[%dma_wait3A_72, %dma_wait3A_73] : memref<10112x64xf32, #tpu.memory_space<vmem_shared>> -> memref<10112x64xf32, #tpu.memory_space<vmem_shared>>
        tpu.wait_indirect_dma semaphore(%run_scoped3A : memref<!tpu.dma_semaphore, #tpu.memory_space<semaphore_mem>>) src(%arg11 : memref<128x64xf32, #tpu.memory_space<vmem>>) dst(%dma_wait3A_74 : memref<10112x64xf32, #tpu.memory_space<vmem_shared>>)
        tpu.yield
      }) : () -> ()
    }
    %scan3A_19 = arith.constant 40 : i32
    %barrier3A_20 = arith.constant 0 : index
    tpu.barrier barrier_id(%barrier3A_20)
    %eq3A = arith.constant 0 : i32
    %eq3A_21 = arith.cmpi eq, %arg0, %eq3A : i32
    %convert_element_type3A = arith.extui %eq3A_21 : i1 to i32
    %cond3A = arith.constant 0 : i32
    %cond3A_22 = arith.cmpi ne, %convert_element_type3A, %cond3A : i32
    scf.if %cond3A_22 {
      %mul3A_28 = arith.constant 632 : i32
      %mul3A_29 = arith.muli %arg1, %mul3A_28 : i32
      %mul3A_30 = arith.constant 632 : i32
      %mul3A_31 = arith.muli %arg1, %mul3A_30 : i32
      "tpu.region"() ({
        %run_scoped3A = tpu.sem_alloc : memref<!tpu.dma_semaphore, #tpu.memory_space<semaphore_mem>>
        %dma_start3A_32 = arith.constant 0 : i32
        %dma_start3A_33 = tpu.memref_slice %arg6[%mul3A_31, %dma_start3A_32] : memref<10112x64xf32, #tpu.memory_space<hbm>> -> memref<632x64xf32, #tpu.memory_space<hbm>>
        %dma_start3A_34 = arith.constant 0 : i32
        %dma_start3A_35 = tpu.memref_slice %arg12[%mul3A_29, %dma_start3A_34] : memref<10112x64xf32, #tpu.memory_space<vmem_shared>> -> memref<632x64xf32, #tpu.memory_space<vmem_shared>>
        tpu.enqueue_dma source(%dma_start3A_35 : memref<632x64xf32, #tpu.memory_space<vmem_shared>>) target(%dma_start3A_33 : memref<632x64xf32, #tpu.memory_space<hbm>>) target_semaphore(%run_scoped3A : memref<!tpu.dma_semaphore, #tpu.memory_space<semaphore_mem>>)
        %dma_wait3A = arith.constant 0 : i32
        %dma_wait3A_36 = tpu.memref_slice %arg6[%mul3A_31, %dma_wait3A] : memref<10112x64xf32, #tpu.memory_space<hbm>> -> memref<632x64xf32, #tpu.memory_space<hbm>>
        %dma_wait3A_37 = arith.constant 0 : i32
        %dma_wait3A_38 = tpu.memref_slice %arg12[%mul3A_29, %dma_wait3A_37] : memref<10112x64xf32, #tpu.memory_space<vmem_shared>> -> memref<632x64xf32, #tpu.memory_space<vmem_shared>>
        tpu.wait_dma2 semaphore(%run_scoped3A : memref<!tpu.dma_semaphore, #tpu.memory_space<semaphore_mem>>) src(%dma_wait3A_38 : memref<632x64xf32, #tpu.memory_space<vmem_shared>>) dst(%dma_wait3A_36 : memref<632x64xf32, #tpu.memory_space<hbm>>)
        tpu.yield
      }) : () -> ()
    } else {
    }
    %eq3A_23 = arith.constant 1 : i32
    %eq3A_24 = arith.cmpi eq, %arg0, %eq3A_23 : i32
    %convert_element_type3A_25 = arith.extui %eq3A_24 : i1 to i32
    %cond3A_26 = arith.constant 0 : i32
    %cond3A_27 = arith.cmpi ne, %convert_element_type3A_25, %cond3A_26 : i32
    scf.if %cond3A_27 {
      %mul3A_28 = arith.constant 632 : i32
      %mul3A_29 = arith.muli %arg1, %mul3A_28 : i32
      %mul3A_30 = arith.constant 632 : i32
      %mul3A_31 = arith.muli %arg1, %mul3A_30 : i32
      "tpu.region"() ({
        %run_scoped3A = tpu.sem_alloc : memref<!tpu.dma_semaphore, #tpu.memory_space<semaphore_mem>>
        %dma_start3A_32 = arith.constant 0 : i32
        %dma_start3A_33 = tpu.memref_slice %arg7[%mul3A_31, %dma_start3A_32] : memref<10112x64xf32, #tpu.memory_space<hbm>> -> memref<632x64xf32, #tpu.memory_space<hbm>>
        %dma_start3A_34 = arith.constant 0 : i32
        %dma_start3A_35 = tpu.memref_slice %arg12[%mul3A_29, %dma_start3A_34] : memref<10112x64xf32, #tpu.memory_space<vmem_shared>> -> memref<632x64xf32, #tpu.memory_space<vmem_shared>>
        tpu.enqueue_dma source(%dma_start3A_35 : memref<632x64xf32, #tpu.memory_space<vmem_shared>>) target(%dma_start3A_33 : memref<632x64xf32, #tpu.memory_space<hbm>>) target_semaphore(%run_scoped3A : memref<!tpu.dma_semaphore, #tpu.memory_space<semaphore_mem>>)
        %dma_wait3A = arith.constant 0 : i32
        %dma_wait3A_36 = tpu.memref_slice %arg7[%mul3A_31, %dma_wait3A] : memref<10112x64xf32, #tpu.memory_space<hbm>> -> memref<632x64xf32, #tpu.memory_space<hbm>>
        %dma_wait3A_37 = arith.constant 0 : i32
        %dma_wait3A_38 = tpu.memref_slice %arg12[%mul3A_29, %dma_wait3A_37] : memref<10112x64xf32, #tpu.memory_space<vmem_shared>> -> memref<632x64xf32, #tpu.memory_space<vmem_shared>>
        tpu.wait_dma2 semaphore(%run_scoped3A : memref<!tpu.dma_semaphore, #tpu.memory_space<semaphore_mem>>) src(%dma_wait3A_38 : memref<632x64xf32, #tpu.memory_space<vmem_shared>>) dst(%dma_wait3A_36 : memref<632x64xf32, #tpu.memory_space<hbm>>)
        tpu.yield
      }) : () -> ()
    } else {
    }
    return
  }
}

#map = affine_map<(d0, d1) -> (0, 0)>
module attributes {stable_mosaic.version = 14 : i64} {
  func.func @k(%arg0: i32, %arg1: i32, %arg2: memref<10112x64xf32, #tpu.memory_space<hbm>>, %arg3: memref<2560x128xi32, #tpu.memory_space<hbm>>, %arg4: memref<2560x128xi32, #tpu.memory_space<hbm>>, %arg5: memref<10112x64xf32, #tpu.memory_space<hbm>>, %arg6: memref<10112x64xf32, #tpu.memory_space<hbm>>, %arg7: memref<10112x64xf32, #tpu.memory_space<hbm>>, %arg8: memref<80x128xi32, #tpu.memory_space<vmem>>, %arg9: memref<80x128xi32, #tpu.memory_space<vmem>>, %arg10: memref<128x64xf32, #tpu.memory_space<vmem>>, %arg11: memref<128x64xf32, #tpu.memory_space<vmem>>, %arg12: memref<10112x64xf32, #tpu.memory_space<vmem_shared>>, %arg13: memref<!tpu.dma_semaphore, #tpu.memory_space<semaphore_mem>>, %arg14: memref<!tpu.dma_semaphore, #tpu.memory_space<semaphore_mem>>) attributes {dimension_semantics = [#tpu.dimension_semantics<core_parallel>, #tpu.dimension_semantics<subcore_parallel>], iteration_bounds = array<i64: 2, 16>, scalar_prefetch = 0 : i64, scratch_operands = 7 : i64, tpu.core_type = #tpu.core_type<sc_vector_subcore>, window_params = [{transform_indices = #map}, {transform_indices = #map}, {transform_indices = #map}, {transform_indices = #map}, {transform_indices = #map}, {transform_indices = #map}]} {
    %mul3A = arith.constant 2 : i32
    %mul3A_0 = arith.muli %arg1, %mul3A : i32
    %add3A = arith.addi %mul3A_0, %arg0 : i32
    %mul3A_1 = arith.constant 80 : i32
    %mul3A_2 = arith.muli %add3A, %mul3A_1 : i32
    "tpu.region"() ({
      %run_scoped3A = tpu.sem_alloc : memref<!tpu.dma_semaphore, #tpu.memory_space<semaphore_mem>>
      %dma_start3A_28 = arith.constant 0 : i32
      %dma_start3A_29 = tpu.memref_slice %arg3[%mul3A_2, %dma_start3A_28] : memref<2560x128xi32, #tpu.memory_space<hbm>> -> memref<80x128xi32, #tpu.memory_space<hbm>>
      %dma_start3A_30 = arith.constant 0 : i32
      %dma_start3A_31 = tpu.memref_slice %arg3[%mul3A_2, %dma_start3A_30] : memref<2560x128xi32, #tpu.memory_space<hbm>> -> memref<80x128xi32, #tpu.memory_space<hbm>>
      tpu.enqueue_dma source(%dma_start3A_31 : memref<80x128xi32, #tpu.memory_space<hbm>>) target(%arg8 : memref<80x128xi32, #tpu.memory_space<vmem>>) target_semaphore(%run_scoped3A : memref<!tpu.dma_semaphore, #tpu.memory_space<semaphore_mem>>)
      %dma_wait3A = arith.constant 0 : i32
      %dma_wait3A_32 = tpu.memref_slice %arg3[%mul3A_2, %dma_wait3A] : memref<2560x128xi32, #tpu.memory_space<hbm>> -> memref<80x128xi32, #tpu.memory_space<hbm>>
      %dma_wait3A_33 = arith.constant 0 : i32
      %dma_wait3A_34 = tpu.memref_slice %arg3[%mul3A_2, %dma_wait3A_33] : memref<2560x128xi32, #tpu.memory_space<hbm>> -> memref<80x128xi32, #tpu.memory_space<hbm>>
      tpu.wait_dma2 semaphore(%run_scoped3A : memref<!tpu.dma_semaphore, #tpu.memory_space<semaphore_mem>>) src(%dma_wait3A_34 : memref<80x128xi32, #tpu.memory_space<hbm>>) dst(%arg8 : memref<80x128xi32, #tpu.memory_space<vmem>>)
      tpu.yield
    }) : () -> ()
    %mul3A_3 = arith.constant 80 : i32
    %mul3A_4 = arith.muli %add3A, %mul3A_3 : i32
    "tpu.region"() ({
      %run_scoped3A = tpu.sem_alloc : memref<!tpu.dma_semaphore, #tpu.memory_space<semaphore_mem>>
      %dma_start3A_28 = arith.constant 0 : i32
      %dma_start3A_29 = tpu.memref_slice %arg4[%mul3A_4, %dma_start3A_28] : memref<2560x128xi32, #tpu.memory_space<hbm>> -> memref<80x128xi32, #tpu.memory_space<hbm>>
      %dma_start3A_30 = arith.constant 0 : i32
      %dma_start3A_31 = tpu.memref_slice %arg4[%mul3A_4, %dma_start3A_30] : memref<2560x128xi32, #tpu.memory_space<hbm>> -> memref<80x128xi32, #tpu.memory_space<hbm>>
      tpu.enqueue_dma source(%dma_start3A_31 : memref<80x128xi32, #tpu.memory_space<hbm>>) target(%arg9 : memref<80x128xi32, #tpu.memory_space<vmem>>) target_semaphore(%run_scoped3A : memref<!tpu.dma_semaphore, #tpu.memory_space<semaphore_mem>>)
      %dma_wait3A = arith.constant 0 : i32
      %dma_wait3A_32 = tpu.memref_slice %arg4[%mul3A_4, %dma_wait3A] : memref<2560x128xi32, #tpu.memory_space<hbm>> -> memref<80x128xi32, #tpu.memory_space<hbm>>
      %dma_wait3A_33 = arith.constant 0 : i32
      %dma_wait3A_34 = tpu.memref_slice %arg4[%mul3A_4, %dma_wait3A_33] : memref<2560x128xi32, #tpu.memory_space<hbm>> -> memref<80x128xi32, #tpu.memory_space<hbm>>
      tpu.wait_dma2 semaphore(%run_scoped3A : memref<!tpu.dma_semaphore, #tpu.memory_space<semaphore_mem>>) src(%dma_wait3A_34 : memref<80x128xi32, #tpu.memory_space<hbm>>) dst(%arg9 : memref<80x128xi32, #tpu.memory_space<vmem>>)
      tpu.yield
    }) : () -> ()
    %mul3A_5 = arith.constant 632 : i32
    %mul3A_6 = arith.muli %arg1, %mul3A_5 : i32
    %mul3A_7 = arith.constant 632 : i32
    %mul3A_8 = arith.muli %arg1, %mul3A_7 : i32
    "tpu.region"() ({
      %run_scoped3A = tpu.sem_alloc : memref<!tpu.dma_semaphore, #tpu.memory_space<semaphore_mem>>
      %dma_start3A_28 = arith.constant 0 : i32
      %dma_start3A_29 = tpu.memref_slice %arg12[%mul3A_8, %dma_start3A_28] : memref<10112x64xf32, #tpu.memory_space<vmem_shared>> -> memref<632x64xf32, #tpu.memory_space<vmem_shared>>
      %dma_start3A_30 = arith.constant 0 : i32
      %dma_start3A_31 = tpu.memref_slice %arg5[%mul3A_6, %dma_start3A_30] : memref<10112x64xf32, #tpu.memory_space<hbm>> -> memref<632x64xf32, #tpu.memory_space<hbm>>
      tpu.enqueue_dma source(%dma_start3A_31 : memref<632x64xf32, #tpu.memory_space<hbm>>) target(%dma_start3A_29 : memref<632x64xf32, #tpu.memory_space<vmem_shared>>) target_semaphore(%run_scoped3A : memref<!tpu.dma_semaphore, #tpu.memory_space<semaphore_mem>>)
      %dma_wait3A = arith.constant 0 : i32
      %dma_wait3A_32 = tpu.memref_slice %arg12[%mul3A_8, %dma_wait3A] : memref<10112x64xf32, #tpu.memory_space<vmem_shared>> -> memref<632x64xf32, #tpu.memory_space<vmem_shared>>
      %dma_wait3A_33 = arith.constant 0 : i32
      %dma_wait3A_34 = tpu.memref_slice %arg5[%mul3A_6, %dma_wait3A_33] : memref<10112x64xf32, #tpu.memory_space<hbm>> -> memref<632x64xf32, #tpu.memory_space<hbm>>
      tpu.wait_dma2 semaphore(%run_scoped3A : memref<!tpu.dma_semaphore, #tpu.memory_space<semaphore_mem>>) src(%dma_wait3A_34 : memref<632x64xf32, #tpu.memory_space<hbm>>) dst(%dma_wait3A_32 : memref<632x64xf32, #tpu.memory_space<vmem_shared>>)
      tpu.yield
    }) : () -> ()
    %barrier3A = arith.constant 0 : index
    tpu.barrier barrier_id(%barrier3A)
    %dma_start3A = arith.constant 0 : i32
    %dma_start3A_9 = arith.constant 0 : i32
    %dma_start3A_10 = tpu.memref_slice %arg8[%dma_start3A, %dma_start3A_9] : memref<80x128xi32, #tpu.memory_space<vmem>> -> memref<1x128xi32, #tpu.memory_space<vmem>>
    %dma_start3A_11 = tpu.memref_squeeze %dma_start3A_10 : memref<1x128xi32, #tpu.memory_space<vmem>> -> memref<128xi32, #tpu.memory_space<vmem>>
    %dma_start3A_12 = arith.constant 0 : i32
    %dma_start3A_13 = arith.constant 0 : i32
    %dma_start3A_14 = tpu.memref_slice %arg2[%dma_start3A_12, %dma_start3A_13] : memref<10112x64xf32, #tpu.memory_space<hbm>> -> memref<10112x64xf32, #tpu.memory_space<hbm>>
    tpu.enqueue_indirect_dma source(%dma_start3A_14 : memref<10112x64xf32, #tpu.memory_space<hbm>>) target(%arg10 : memref<128x64xf32, #tpu.memory_space<vmem>>) offsets(%dma_start3A_11 : memref<128xi32, #tpu.memory_space<vmem>>) semaphore(%arg13 : memref<!tpu.dma_semaphore, #tpu.memory_space<semaphore_mem>>)
    %scan3A = arith.constant 0 : i32
    %scan3A_15 = arith.constant 0 : i32
    %scan3A_16 = arith.constant 40 : i32
    %scan3A_17 = arith.addi %scan3A_15, %scan3A_16 : i32
    %scan3A_18 = arith.constant 1 : i32
    scf.for %scan3A_28 = %scan3A_15 to %scan3A_17 step %scan3A_18  : i32 {
      %mul3A_29 = arith.constant 2 : i32
      %mul3A_30 = arith.muli %scan3A_28, %mul3A_29 : i32
      %add3A_31 = arith.constant 0 : i32
      %add3A_32 = arith.addi %mul3A_30, %add3A_31 : i32
      %dma_wait3A = arith.constant 0 : i32
      %dma_wait3A_33 = arith.constant 0 : i32
      %dma_wait3A_34 = tpu.memref_slice %arg8[%dma_wait3A, %dma_wait3A_33] : memref<80x128xi32, #tpu.memory_space<vmem>> -> memref<1x128xi32, #tpu.memory_space<vmem>>
      %dma_wait3A_35 = tpu.memref_squeeze %dma_wait3A_34 : memref<1x128xi32, #tpu.memory_space<vmem>> -> memref<128xi32, #tpu.memory_space<vmem>>
      %dma_wait3A_36 = arith.constant 0 : i32
      %dma_wait3A_37 = arith.constant 0 : i32
      %dma_wait3A_38 = tpu.memref_slice %arg2[%dma_wait3A_36, %dma_wait3A_37] : memref<10112x64xf32, #tpu.memory_space<hbm>> -> memref<10112x64xf32, #tpu.memory_space<hbm>>
      tpu.wait_indirect_dma semaphore(%arg13 : memref<!tpu.dma_semaphore, #tpu.memory_space<semaphore_mem>>) src(%dma_wait3A_38 : memref<10112x64xf32, #tpu.memory_space<hbm>>) dst(%arg10 : memref<128x64xf32, #tpu.memory_space<vmem>>)
      %add3A_39 = arith.constant 1 : i32
      %add3A_40 = arith.addi %add3A_32, %add3A_39 : i32
      %lt3A = arith.constant 80 : i32
      %lt3A_41 = arith.cmpi slt, %add3A_40, %lt3A : i32
      %convert_element_type3A_42 = arith.extui %lt3A_41 : i1 to i32
      %cond3A_43 = arith.constant 0 : i32
      %cond3A_44 = arith.cmpi ne, %convert_element_type3A_42, %cond3A_43 : i32
      scf.if %cond3A_44 {
        %add3A_63 = arith.constant 1 : i32
        %add3A_64 = arith.addi %add3A_32, %add3A_63 : i32
        %dma_start3A_65 = arith.constant 0 : i32
        %dma_start3A_66 = tpu.memref_slice %arg8[%add3A_64, %dma_start3A_65] : memref<80x128xi32, #tpu.memory_space<vmem>> -> memref<1x128xi32, #tpu.memory_space<vmem>>
        %dma_start3A_67 = tpu.memref_squeeze %dma_start3A_66 : memref<1x128xi32, #tpu.memory_space<vmem>> -> memref<128xi32, #tpu.memory_space<vmem>>
        %dma_start3A_68 = arith.constant 0 : i32
        %dma_start3A_69 = arith.constant 0 : i32
        %dma_start3A_70 = tpu.memref_slice %arg2[%dma_start3A_68, %dma_start3A_69] : memref<10112x64xf32, #tpu.memory_space<hbm>> -> memref<10112x64xf32, #tpu.memory_space<hbm>>
        tpu.enqueue_indirect_dma source(%dma_start3A_70 : memref<10112x64xf32, #tpu.memory_space<hbm>>) target(%arg11 : memref<128x64xf32, #tpu.memory_space<vmem>>) offsets(%dma_start3A_67 : memref<128xi32, #tpu.memory_space<vmem>>) semaphore(%arg14 : memref<!tpu.dma_semaphore, #tpu.memory_space<semaphore_mem>>)
      } else {
      }
      "tpu.region"() ({
        %run_scoped3A = tpu.sem_alloc : memref<!tpu.dma_semaphore, #tpu.memory_space<semaphore_mem>>
        %dma_start3A_63 = arith.constant 0 : i32
        %dma_start3A_64 = tpu.memref_slice %arg9[%add3A_32, %dma_start3A_63] : memref<80x128xi32, #tpu.memory_space<vmem>> -> memref<1x128xi32, #tpu.memory_space<vmem>>
        %dma_start3A_65 = tpu.memref_squeeze %dma_start3A_64 : memref<1x128xi32, #tpu.memory_space<vmem>> -> memref<128xi32, #tpu.memory_space<vmem>>
        %dma_start3A_66 = arith.constant 0 : i32
        %dma_start3A_67 = arith.constant 0 : i32
        %dma_start3A_68 = tpu.memref_slice %arg12[%dma_start3A_66, %dma_start3A_67] : memref<10112x64xf32, #tpu.memory_space<vmem_shared>> -> memref<10112x64xf32, #tpu.memory_space<vmem_shared>>
        tpu.enqueue_indirect_dma source(%arg10 : memref<128x64xf32, #tpu.memory_space<vmem>>) target(%dma_start3A_68 : memref<10112x64xf32, #tpu.memory_space<vmem_shared>>) offsets(%dma_start3A_65 : memref<128xi32, #tpu.memory_space<vmem>>) semaphore(%run_scoped3A : memref<!tpu.dma_semaphore, #tpu.memory_space<semaphore_mem>>) {add = true}
        %dma_wait3A_69 = arith.constant 0 : i32
        %dma_wait3A_70 = tpu.memref_slice %arg9[%add3A_32, %dma_wait3A_69] : memref<80x128xi32, #tpu.memory_space<vmem>> -> memref<1x128xi32, #tpu.memory_space<vmem>>
        %dma_wait3A_71 = tpu.memref_squeeze %dma_wait3A_70 : memref<1x128xi32, #tpu.memory_space<vmem>> -> memref<128xi32, #tpu.memory_space<vmem>>
        %dma_wait3A_72 = arith.constant 0 : i32
        %dma_wait3A_73 = arith.constant 0 : i32
        %dma_wait3A_74 = tpu.memref_slice %arg12[%dma_wait3A_72, %dma_wait3A_73] : memref<10112x64xf32, #tpu.memory_space<vmem_shared>> -> memref<10112x64xf32, #tpu.memory_space<vmem_shared>>
        tpu.wait_indirect_dma semaphore(%run_scoped3A : memref<!tpu.dma_semaphore, #tpu.memory_space<semaphore_mem>>) src(%arg10 : memref<128x64xf32, #tpu.memory_space<vmem>>) dst(%dma_wait3A_74 : memref<10112x64xf32, #tpu.memory_space<vmem_shared>>)
        tpu.yield
      }) : () -> ()
      %mul3A_45 = arith.constant 2 : i32
      %mul3A_46 = arith.muli %scan3A_28, %mul3A_45 : i32
      %add3A_47 = arith.constant 1 : i32
      %add3A_48 = arith.addi %mul3A_46, %add3A_47 : i32
      %dma_wait3A_49 = arith.constant 0 : i32
      %dma_wait3A_50 = arith.constant 0 : i32
      %dma_wait3A_51 = tpu.memref_slice %arg8[%dma_wait3A_49, %dma_wait3A_50] : memref<80x128xi32, #tpu.memory_space<vmem>> -> memref<1x128xi32, #tpu.memory_space<vmem>>
      %dma_wait3A_52 = tpu.memref_squeeze %dma_wait3A_51 : memref<1x128xi32, #tpu.memory_space<vmem>> -> memref<128xi32, #tpu.memory_space<vmem>>
      %dma_wait3A_53 = arith.constant 0 : i32
      %dma_wait3A_54 = arith.constant 0 : i32
      %dma_wait3A_55 = tpu.memref_slice %arg2[%dma_wait3A_53, %dma_wait3A_54] : memref<10112x64xf32, #tpu.memory_space<hbm>> -> memref<10112x64xf32, #tpu.memory_space<hbm>>
      tpu.wait_indirect_dma semaphore(%arg14 : memref<!tpu.dma_semaphore, #tpu.memory_space<semaphore_mem>>) src(%dma_wait3A_55 : memref<10112x64xf32, #tpu.memory_space<hbm>>) dst(%arg11 : memref<128x64xf32, #tpu.memory_space<vmem>>)
      %add3A_56 = arith.constant 1 : i32
      %add3A_57 = arith.addi %add3A_48, %add3A_56 : i32
      %lt3A_58 = arith.constant 80 : i32
      %lt3A_59 = arith.cmpi slt, %add3A_57, %lt3A_58 : i32
      %convert_element_type3A_60 = arith.extui %lt3A_59 : i1 to i32
      %cond3A_61 = arith.constant 0 : i32
      %cond3A_62 = arith.cmpi ne, %convert_element_type3A_60, %cond3A_61 : i32
      scf.if %cond3A_62 {
        %add3A_63 = arith.constant 1 : i32
        %add3A_64 = arith.addi %add3A_48, %add3A_63 : i32
        %dma_start3A_65 = arith.constant 0 : i32
        %dma_start3A_66 = tpu.memref_slice %arg8[%add3A_64, %dma_start3A_65] : memref<80x128xi32, #tpu.memory_space<vmem>> -> memref<1x128xi32, #tpu.memory_space<vmem>>
        %dma_start3A_67 = tpu.memref_squeeze %dma_start3A_66 : memref<1x128xi32, #tpu.memory_space<vmem>> -> memref<128xi32, #tpu.memory_space<vmem>>
        %dma_start3A_68 = arith.constant 0 : i32
        %dma_start3A_69 = arith.constant 0 : i32
        %dma_start3A_70 = tpu.memref_slice %arg2[%dma_start3A_68, %dma_start3A_69] : memref<10112x64xf32, #tpu.memory_space<hbm>> -> memref<10112x64xf32, #tpu.memory_space<hbm>>
        tpu.enqueue_indirect_dma source(%dma_start3A_70 : memref<10112x64xf32, #tpu.memory_space<hbm>>) target(%arg10 : memref<128x64xf32, #tpu.memory_space<vmem>>) offsets(%dma_start3A_67 : memref<128xi32, #tpu.memory_space<vmem>>) semaphore(%arg13 : memref<!tpu.dma_semaphore, #tpu.memory_space<semaphore_mem>>)
      } else {
      }
      "tpu.region"() ({
        %run_scoped3A = tpu.sem_alloc : memref<!tpu.dma_semaphore, #tpu.memory_space<semaphore_mem>>
        %dma_start3A_63 = arith.constant 0 : i32
        %dma_start3A_64 = tpu.memref_slice %arg9[%add3A_48, %dma_start3A_63] : memref<80x128xi32, #tpu.memory_space<vmem>> -> memref<1x128xi32, #tpu.memory_space<vmem>>
        %dma_start3A_65 = tpu.memref_squeeze %dma_start3A_64 : memref<1x128xi32, #tpu.memory_space<vmem>> -> memref<128xi32, #tpu.memory_space<vmem>>
        %dma_start3A_66 = arith.constant 0 : i32
        %dma_start3A_67 = arith.constant 0 : i32
        %dma_start3A_68 = tpu.memref_slice %arg12[%dma_start3A_66, %dma_start3A_67] : memref<10112x64xf32, #tpu.memory_space<vmem_shared>> -> memref<10112x64xf32, #tpu.memory_space<vmem_shared>>
        tpu.enqueue_indirect_dma source(%arg11 : memref<128x64xf32, #tpu.memory_space<vmem>>) target(%dma_start3A_68 : memref<10112x64xf32, #tpu.memory_space<vmem_shared>>) offsets(%dma_start3A_65 : memref<128xi32, #tpu.memory_space<vmem>>) semaphore(%run_scoped3A : memref<!tpu.dma_semaphore, #tpu.memory_space<semaphore_mem>>) {add = true}
        %dma_wait3A_69 = arith.constant 0 : i32
        %dma_wait3A_70 = tpu.memref_slice %arg9[%add3A_48, %dma_wait3A_69] : memref<80x128xi32, #tpu.memory_space<vmem>> -> memref<1x128xi32, #tpu.memory_space<vmem>>
        %dma_wait3A_71 = tpu.memref_squeeze %dma_wait3A_70 : memref<1x128xi32, #tpu.memory_space<vmem>> -> memref<128xi32, #tpu.memory_space<vmem>>
        %dma_wait3A_72 = arith.constant 0 : i32
        %dma_wait3A_73 = arith.constant 0 : i32
        %dma_wait3A_74 = tpu.memref_slice %arg12[%dma_wait3A_72, %dma_wait3A_73] : memref<10112x64xf32, #tpu.memory_space<vmem_shared>> -> memref<10112x64xf32, #tpu.memory_space<vmem_shared>>
        tpu.wait_indirect_dma semaphore(%run_scoped3A : memref<!tpu.dma_semaphore, #tpu.memory_space<semaphore_mem>>) src(%arg11 : memref<128x64xf32, #tpu.memory_space<vmem>>) dst(%dma_wait3A_74 : memref<10112x64xf32, #tpu.memory_space<vmem_shared>>)
        tpu.yield
      }) : () -> ()
    }
    %scan3A_19 = arith.constant 40 : i32
    %barrier3A_20 = arith.constant 0 : index
    tpu.barrier barrier_id(%barrier3A_20)
    %eq3A = arith.constant 0 : i32
    %eq3A_21 = arith.cmpi eq, %arg0, %eq3A : i32
    %convert_element_type3A = arith.extui %eq3A_21 : i1 to i32
    %cond3A = arith.constant 0 : i32
    %cond3A_22 = arith.cmpi ne, %convert_element_type3A, %cond3A : i32
    scf.if %cond3A_22 {
      %mul3A_28 = arith.constant 632 : i32
      %mul3A_29 = arith.muli %arg1, %mul3A_28 : i32
      %mul3A_30 = arith.constant 632 : i32
      %mul3A_31 = arith.muli %arg1, %mul3A_30 : i32
      "tpu.region"() ({
        %run_scoped3A = tpu.sem_alloc : memref<!tpu.dma_semaphore, #tpu.memory_space<semaphore_mem>>
        %dma_start3A_32 = arith.constant 0 : i32
        %dma_start3A_33 = tpu.memref_slice %arg6[%mul3A_31, %dma_start3A_32] : memref<10112x64xf32, #tpu.memory_space<hbm>> -> memref<632x64xf32, #tpu.memory_space<hbm>>
        %dma_start3A_34 = arith.constant 0 : i32
        %dma_start3A_35 = tpu.memref_slice %arg12[%mul3A_29, %dma_start3A_34] : memref<10112x64xf32, #tpu.memory_space<vmem_shared>> -> memref<632x64xf32, #tpu.memory_space<vmem_shared>>
        tpu.enqueue_dma source(%dma_start3A_35 : memref<632x64xf32, #tpu.memory_space<vmem_shared>>) target(%dma_start3A_33 : memref<632x64xf32, #tpu.memory_space<hbm>>) target_semaphore(%run_scoped3A : memref<!tpu.dma_semaphore, #tpu.memory_space<semaphore_mem>>)
        %dma_wait3A = arith.constant 0 : i32
        %dma_wait3A_36 = tpu.memref_slice %arg6[%mul3A_31, %dma_wait3A] : memref<10112x64xf32, #tpu.memory_space<hbm>> -> memref<632x64xf32, #tpu.memory_space<hbm>>
        %dma_wait3A_37 = arith.constant 0 : i32
        %dma_wait3A_38 = tpu.memref_slice %arg12[%mul3A_29, %dma_wait3A_37] : memref<10112x64xf32, #tpu.memory_space<vmem_shared>> -> memref<632x64xf32, #tpu.memory_space<vmem_shared>>
        tpu.wait_dma2 semaphore(%run_scoped3A : memref<!tpu.dma_semaphore, #tpu.memory_space<semaphore_mem>>) src(%dma_wait3A_38 : memref<632x64xf32, #tpu.memory_space<vmem_shared>>) dst(%dma_wait3A_36 : memref<632x64xf32, #tpu.memory_space<hbm>>)
        tpu.yield
      }) : () -> ()
    } else {
    }
    %eq3A_23 = arith.constant 1 : i32
    %eq3A_24 = arith.cmpi eq, %arg0, %eq3A_23 : i32
    %convert_element_type3A_25 = arith.extui %eq3A_24 : i1 to i32
    %cond3A_26 = arith.constant 0 : i32
    %cond3A_27 = arith.cmpi ne, %convert_element_type3A_25, %cond3A_26 : i32
    scf.if %cond3A_27 {
      %mul3A_28 = arith.constant 632 : i32
      %mul3A_29 = arith.muli %arg1, %mul3A_28 : i32
      %mul3A_30 = arith.constant 632 : i32
      %mul3A_31 = arith.muli %arg1, %mul3A_30 : i32
      "tpu.region"() ({
        %run_scoped3A = tpu.sem_alloc : memref<!tpu.dma_semaphore, #tpu.memory_space<semaphore_mem>>
        %dma_start3A_32 = arith.constant 0 : i32
        %dma_start3A_33 = tpu.memref_slice %arg7[%mul3A_31, %dma_start3A_32] : memref<10112x64xf32, #tpu.memory_space<hbm>> -> memref<632x64xf32, #tpu.memory_space<hbm>>
        %dma_start3A_34 = arith.constant 0 : i32
        %dma_start3A_35 = tpu.memref_slice %arg12[%mul3A_29, %dma_start3A_34] : memref<10112x64xf32, #tpu.memory_space<vmem_shared>> -> memref<632x64xf32, #tpu.memory_space<vmem_shared>>
        tpu.enqueue_dma source(%dma_start3A_35 : memref<632x64xf32, #tpu.memory_space<vmem_shared>>) target(%dma_start3A_33 : memref<632x64xf32, #tpu.memory_space<hbm>>) target_semaphore(%run_scoped3A : memref<!tpu.dma_semaphore, #tpu.memory_space<semaphore_mem>>)
        %dma_wait3A = arith.constant 0 : i32
        %dma_wait3A_36 = tpu.memref_slice %arg7[%mul3A_31, %dma_wait3A] : memref<10112x64xf32, #tpu.memory_space<hbm>> -> memref<632x64xf32, #tpu.memory_space<hbm>>
        %dma_wait3A_37 = arith.constant 0 : i32
        %dma_wait3A_38 = tpu.memref_slice %arg12[%mul3A_29, %dma_wait3A_37] : memref<10112x64xf32, #tpu.memory_space<vmem_shared>> -> memref<632x64xf32, #tpu.memory_space<vmem_shared>>
        tpu.wait_dma2 semaphore(%run_scoped3A : memref<!tpu.dma_semaphore, #tpu.memory_space<semaphore_mem>>) src(%dma_wait3A_38 : memref<632x64xf32, #tpu.memory_space<vmem_shared>>) dst(%dma_wait3A_36 : memref<632x64xf32, #tpu.memory_space<hbm>>)
        tpu.yield
      }) : () -> ()
    } else {
    }
    return
  }
}

module attributes {stable_mosaic.version = 14 : i64} {
  func.func @_dinv_body(%arg0: memref<10112x8xf32, #tpu.memory_space<vmem>>, %arg1: memref<10112x8xf32, #tpu.memory_space<vmem>>, %arg2: memref<10112x1xf32, #tpu.memory_space<vmem>>) attributes {dimension_semantics = [], scalar_prefetch = 0 : i64, scratch_operands = 0 : i64, tpu.core_type = #tpu.core_type<tc>} {
    %get3A = arith.constant 0 : index
    %get3A_0 = arith.constant 0 : index
    %get3A_1 = vector.load %arg0[%get3A, %get3A_0] : memref<10112x8xf32, #tpu.memory_space<vmem>>, vector<10112x1xf32>
    %get3A_2 = arith.constant 0 : index
    %get3A_3 = arith.constant 0 : index
    %get3A_4 = vector.load %arg1[%get3A_2, %get3A_3] : memref<10112x8xf32, #tpu.memory_space<vmem>>, vector<10112x1xf32>
    %add3A = arith.addf %get3A_1, %get3A_4 : vector<10112x1xf32>
    %add3A_5 = arith.constant 1.000000e+00 : f32
    %add3A_6 = vector.broadcast %add3A_5 : f32 to vector<10112x1xf32>
    %add3A_7 = arith.addf %add3A, %add3A_6 : vector<10112x1xf32>
    %rsqrt3A = math.rsqrt %add3A_7 : vector<10112x1xf32>
    %swap3A = arith.constant 0 : index
    %swap3A_8 = arith.constant 0 : index
    %swap3A_9 = vector.load %arg2[%swap3A, %swap3A_8] : memref<10112x1xf32, #tpu.memory_space<vmem>>, vector<10112x1xf32>
    tpu.vector_store %arg2[%swap3A, %swap3A_8], %rsqrt3A {strides = array<i32>} : memref<10112x1xf32, #tpu.memory_space<vmem>>, vector<10112x1xf32>,
    return
  }
}

module attributes {stable_mosaic.version = 14 : i64} {
  func.func @_prescale_mm_body(%arg0: i32, %arg1: memref<632x128xf32, #tpu.memory_space<vmem>>, %arg2: memref<128x64xf32, #tpu.memory_space<vmem>>, %arg3: memref<632x1xf32, #tpu.memory_space<vmem>>, %arg4: memref<632x64xf32, #tpu.memory_space<vmem>>) attributes {dimension_semantics = [#tpu.dimension_semantics<arbitrary>], iteration_bounds = array<i64: 16>, scalar_prefetch = 0 : i64, scratch_operands = 0 : i64, tpu.core_type = #tpu.core_type<tc>, window_params = [{transform_indices = @transform_0, window_bounds = array<i64: 632, 128>}, {pipeline_mode = #tpu.pipeline_mode<synchronous>, transform_indices = @transform_1, window_bounds = array<i64: 128, 64>}, {transform_indices = @transform_2, window_bounds = array<i64: 632, 1>}, {transform_indices = @transform_3, window_bounds = array<i64: 632, 64>}]} {
    %get3A = arith.constant 0 : index
    %get3A_0 = arith.constant 0 : index
    %get3A_1 = vector.load %arg1[%get3A, %get3A_0] : memref<632x128xf32, #tpu.memory_space<vmem>>, vector<632x128xf32>
    %get3A_2 = arith.constant 0 : index
    %get3A_3 = arith.constant 0 : index
    %get3A_4 = vector.load %arg2[%get3A_2, %get3A_3] : memref<128x64xf32, #tpu.memory_space<vmem>>, vector<128x64xf32>
    %dot_general3A = arith.constant dense<0.000000e+00> : vector<632x64xf32>
    %dot_general3A_5 = tpu.matmul %get3A_1, %get3A_4, %dot_general3A {dimension_numbers = #tpu.dot_dimension_numbers<[1], [0], [0], [1], [0, 0, 1, 1], [], []>, transpose_lhs_hint = false} : vector<632x128xf32>, vector<128x64xf32>, vector<632x64xf32> -> vector<632x64xf32>
    %get3A_6 = arith.constant 0 : index
    %get3A_7 = arith.constant 0 : index
    %get3A_8 = vector.load %arg3[%get3A_6, %get3A_7] : memref<632x1xf32, #tpu.memory_space<vmem>>, vector<632x1xf32>
    %mul3A = vector.broadcast %get3A_8 : vector<632x1xf32> to vector<632x64xf32>
    %mul3A_9 = arith.mulf %mul3A, %dot_general3A_5 : vector<632x64xf32>
    %swap3A = arith.constant 0 : index
    %swap3A_10 = arith.constant 0 : index
    %swap3A_11 = vector.load %arg4[%swap3A, %swap3A_10] : memref<632x64xf32, #tpu.memory_space<vmem>>, vector<632x64xf32>
    tpu.vector_store %arg4[%swap3A, %swap3A_10], %mul3A_9 {strides = array<i32>} : memref<632x64xf32, #tpu.memory_space<vmem>>, vector<632x64xf32>,
    return
  }
  func.func @transform_0(%arg0: i32) -> (i32, i32) {
    %c0_i32 = arith.constant 0 : i32
    %c0_i32_0 = arith.constant 0 : i32
    return %arg0, %c0_i32 : i32, i32
  }
  func.func @transform_1(%arg0: i32) -> (i32, i32) {
    %c0_i32 = arith.constant 0 : i32
    %c0_i32_0 = arith.constant 0 : i32
    %c0_i32_1 = arith.constant 0 : i32
    return %c0_i32, %c0_i32_0 : i32, i32
  }
  func.func @transform_2(%arg0: i32) -> (i32, i32) {
    %c0_i32 = arith.constant 0 : i32
    %c0_i32_0 = arith.constant 0 : i32
    return %arg0, %c0_i32 : i32, i32
  }
  func.func @transform_3(%arg0: i32) -> (i32, i32) {
    %c0_i32 = arith.constant 0 : i32
    %c0_i32_0 = arith.constant 0 : i32
    return %arg0, %c0_i32 : i32, i32
  }
}

module attributes {stable_mosaic.version = 14 : i64} {
  func.func @_combine_body(%arg0: i32, %arg1: memref<1000x64xf32, #tpu.memory_space<vmem>>, %arg2: memref<1000x64xf32, #tpu.memory_space<vmem>>, %arg3: memref<1000x64xf32, #tpu.memory_space<vmem>>, %arg4: memref<1000x1xf32, #tpu.memory_space<vmem>>, %arg5: memref<1x64xf32, #tpu.memory_space<vmem>>, %arg6: memref<1000x64xf32, #tpu.memory_space<vmem>>, %arg7: memref<2x64xf32, #tpu.memory_space<vmem>>) attributes {dimension_semantics = [#tpu.dimension_semantics<arbitrary>], iteration_bounds = array<i64: 10>, scalar_prefetch = 0 : i64, scratch_operands = 0 : i64, tpu.core_type = #tpu.core_type<tc>, window_params = [{transform_indices = @transform_0, window_bounds = array<i64: 1000, 64>}, {transform_indices = @transform_1, window_bounds = array<i64: 1000, 64>}, {transform_indices = @transform_2, window_bounds = array<i64: 1000, 64>}, {transform_indices = @transform_3, window_bounds = array<i64: 1000, 1>}, {pipeline_mode = #tpu.pipeline_mode<synchronous>, transform_indices = @transform_4, window_bounds = array<i64: 1, 64>}, {transform_indices = @transform_5, window_bounds = array<i64: 1000, 64>}, {pipeline_mode = #tpu.pipeline_mode<synchronous>, transform_indices = @transform_6, window_bounds = array<i64: 2, 64>}]} {
    %get3A = arith.constant 0 : index
    %get3A_0 = arith.constant 0 : index
    %get3A_1 = vector.load %arg4[%get3A, %get3A_0] : memref<1000x1xf32, #tpu.memory_space<vmem>>, vector<1000x1xf32>
    %get3A_2 = arith.constant 0 : index
    %get3A_3 = arith.constant 0 : index
    %get3A_4 = vector.load %arg1[%get3A_2, %get3A_3] : memref<1000x64xf32, #tpu.memory_space<vmem>>, vector<1000x64xf32>
    %get3A_5 = arith.constant 0 : index
    %get3A_6 = arith.constant 0 : index
    %get3A_7 = vector.load %arg2[%get3A_5, %get3A_6] : memref<1000x64xf32, #tpu.memory_space<vmem>>, vector<1000x64xf32>
    %add3A = arith.addf %get3A_4, %get3A_7 : vector<1000x64xf32>
    %get3A_8 = arith.constant 0 : index
    %get3A_9 = arith.constant 0 : index
    %get3A_10 = vector.load %arg3[%get3A_8, %get3A_9] : memref<1000x64xf32, #tpu.memory_space<vmem>>, vector<1000x64xf32>
    %add3A_11 = arith.addf %add3A, %get3A_10 : vector<1000x64xf32>
    %mul3A = vector.broadcast %get3A_1 : vector<1000x1xf32> to vector<1000x64xf32>
    %mul3A_12 = arith.mulf %mul3A, %add3A_11 : vector<1000x64xf32>
    %get3A_13 = arith.constant 0 : index
    %get3A_14 = arith.constant 0 : index
    %get3A_15 = vector.load %arg5[%get3A_13, %get3A_14] : memref<1x64xf32, #tpu.memory_space<vmem>>, vector<1x64xf32>
    %add3A_16 = vector.broadcast %get3A_15 : vector<1x64xf32> to vector<1000x64xf32>
    %add3A_17 = arith.addf %mul3A_12, %add3A_16 : vector<1000x64xf32>
    %swap3A = arith.constant 0 : index
    %swap3A_18 = arith.constant 0 : index
    %swap3A_19 = vector.load %arg6[%swap3A, %swap3A_18] : memref<1000x64xf32, #tpu.memory_space<vmem>>, vector<1000x64xf32>
    tpu.vector_store %arg6[%swap3A, %swap3A_18], %add3A_17 {strides = array<i32>} : memref<1000x64xf32, #tpu.memory_space<vmem>>, vector<1000x64xf32>,
    %eq3A = arith.constant 0 : i32
    %eq3A_20 = arith.cmpi eq, %arg0, %eq3A : i32
    %convert_element_type3A = arith.extui %eq3A_20 : i1 to i32
    %cond3A = arith.constant 0 : i32
    %cond3A_21 = arith.cmpi ne, %convert_element_type3A, %cond3A : i32
    scf.if %cond3A_21 {
      %broadcast_in_dim3A_41 = arith.constant 0.000000e+00 : f32
      %broadcast_in_dim3A_42 = vector.broadcast %broadcast_in_dim3A_41 : f32 to vector<2x64xf32>
      %swap3A_43 = arith.constant 0 : index
      %swap3A_44 = arith.constant 0 : index
      %swap3A_45 = vector.load %arg7[%swap3A_43, %swap3A_44] : memref<2x64xf32, #tpu.memory_space<vmem>>, vector<2x64xf32>
      tpu.vector_store %arg7[%swap3A_43, %swap3A_44], %broadcast_in_dim3A_42 {strides = array<i32>} : memref<2x64xf32, #tpu.memory_space<vmem>>, vector<2x64xf32>,
    } else {
    }
    %get3A_22 = arith.constant 0 : index
    %get3A_23 = arith.constant 0 : index
    %get3A_24 = vector.load %arg7[%get3A_22, %get3A_23] : memref<2x64xf32, #tpu.memory_space<vmem>>, vector<1x64xf32>
    %reduce_sum3A = arith.constant dense<0.000000e+00> : vector<64xf32>
    %reduce_sum3A_25 = vector.multi_reduction <add>, %add3A_17, %reduce_sum3A [0] : vector<1000x64xf32> to vector<64xf32>
    %broadcast_in_dim3A = vector.shape_cast %reduce_sum3A_25 : vector<64xf32> to vector<1x64xf32>
    %add3A_26 = arith.addf %get3A_24, %broadcast_in_dim3A : vector<1x64xf32>
    %swap3A_27 = arith.constant 0 : index
    %swap3A_28 = arith.constant 0 : index
    %swap3A_29 = vector.load %arg7[%swap3A_27, %swap3A_28] : memref<2x64xf32, #tpu.memory_space<vmem>>, vector<1x64xf32>
    tpu.vector_store %arg7[%swap3A_27, %swap3A_28], %add3A_26 {strides = array<i32>} : memref<2x64xf32, #tpu.memory_space<vmem>>, vector<1x64xf32>,
    %get3A_30 = arith.constant 1 : index
    %get3A_31 = arith.constant 0 : index
    %get3A_32 = vector.load %arg7[%get3A_30, %get3A_31] : memref<2x64xf32, #tpu.memory_space<vmem>>, vector<1x64xf32>
    %mul3A_33 = arith.mulf %add3A_17, %add3A_17 : vector<1000x64xf32>
    %reduce_sum3A_34 = arith.constant dense<0.000000e+00> : vector<64xf32>
    %reduce_sum3A_35 = vector.multi_reduction <add>, %mul3A_33, %reduce_sum3A_34 [0] : vector<1000x64xf32> to vector<64xf32>
    %broadcast_in_dim3A_36 = vector.shape_cast %reduce_sum3A_35 : vector<64xf32> to vector<1x64xf32>
    %add3A_37 = arith.addf %get3A_32, %broadcast_in_dim3A_36 : vector<1x64xf32>
    %swap3A_38 = arith.constant 1 : index
    %swap3A_39 = arith.constant 0 : index
    %swap3A_40 = vector.load %arg7[%swap3A_38, %swap3A_39] : memref<2x64xf32, #tpu.memory_space<vmem>>, vector<1x64xf32>
    tpu.vector_store %arg7[%swap3A_38, %swap3A_39], %add3A_37 {strides = array<i32>} : memref<2x64xf32, #tpu.memory_space<vmem>>, vector<1x64xf32>,
    return
  }
  func.func @transform_0(%arg0: i32) -> (i32, i32) {
    %c0_i32 = arith.constant 0 : i32
    %c0_i32_0 = arith.constant 0 : i32
    return %arg0, %c0_i32 : i32, i32
  }
  func.func @transform_1(%arg0: i32) -> (i32, i32) {
    %c0_i32 = arith.constant 0 : i32
    %c0_i32_0 = arith.constant 0 : i32
    return %arg0, %c0_i32 : i32, i32
  }
  func.func @transform_2(%arg0: i32) -> (i32, i32) {
    %c0_i32 = arith.constant 0 : i32
    %c0_i32_0 = arith.constant 0 : i32
    return %arg0, %c0_i32 : i32, i32
  }
  func.func @transform_3(%arg0: i32) -> (i32, i32) {
    %c0_i32 = arith.constant 0 : i32
    %c0_i32_0 = arith.constant 0 : i32
    return %arg0, %c0_i32 : i32, i32
  }
  func.func @transform_4(%arg0: i32) -> (i32, i32) {
    %c0_i32 = arith.constant 0 : i32
    %c0_i32_0 = arith.constant 0 : i32
    %c0_i32_1 = arith.constant 0 : i32
    return %c0_i32, %c0_i32_0 : i32, i32
  }
  func.func @transform_5(%arg0: i32) -> (i32, i32) {
    %c0_i32 = arith.constant 0 : i32
    %c0_i32_0 = arith.constant 0 : i32
    return %arg0, %c0_i32 : i32, i32
  }
  func.func @transform_6(%arg0: i32) -> (i32, i32) {
    %c0_i32 = arith.constant 0 : i32
    %c0_i32_0 = arith.constant 0 : i32
    %c0_i32_1 = arith.constant 0 : i32
    return %c0_i32, %c0_i32_0 : i32, i32
  }
}

module attributes {stable_mosaic.version = 14 : i64} {
  func.func @_gn_scale_body(%arg0: i32, %arg1: memref<1000x64xf32, #tpu.memory_space<vmem>>, %arg2: memref<2x64xf32, #tpu.memory_space<vmem>>, %arg3: memref<3x64xf32, #tpu.memory_space<vmem>>, %arg4: memref<1000x1xf32, #tpu.memory_space<vmem>>, %arg5: memref<1000x64xf32, #tpu.memory_space<vmem>>) attributes {dimension_semantics = [#tpu.dimension_semantics<arbitrary>], iteration_bounds = array<i64: 10>, scalar_prefetch = 0 : i64, scratch_operands = 0 : i64, tpu.core_type = #tpu.core_type<tc>, window_params = [{transform_indices = @transform_0, window_bounds = array<i64: 1000, 64>}, {pipeline_mode = #tpu.pipeline_mode<synchronous>, transform_indices = @transform_1, window_bounds = array<i64: 2, 64>}, {pipeline_mode = #tpu.pipeline_mode<synchronous>, transform_indices = @transform_2, window_bounds = array<i64: 3, 64>}, {transform_indices = @transform_3, window_bounds = array<i64: 1000, 1>}, {transform_indices = @transform_4, window_bounds = array<i64: 1000, 64>}]} {
    %get3A = arith.constant 0 : index
    %get3A_0 = arith.constant 0 : index
    %get3A_1 = vector.load %arg1[%get3A, %get3A_0] : memref<1000x64xf32, #tpu.memory_space<vmem>>, vector<1000x64xf32>
    %get3A_2 = arith.constant 0 : index
    %get3A_3 = arith.constant 0 : index
    %get3A_4 = vector.load %arg2[%get3A_2, %get3A_3] : memref<2x64xf32, #tpu.memory_space<vmem>>, vector<1x64xf32>
    %mul3A = arith.constant 9.99999974E-5 : f32
    %mul3A_5 = vector.broadcast %mul3A : f32 to vector<1x64xf32>
    %mul3A_6 = arith.mulf %get3A_4, %mul3A_5 : vector<1x64xf32>
    %get3A_7 = arith.constant 1 : index
    %get3A_8 = arith.constant 0 : index
    %get3A_9 = vector.load %arg2[%get3A_7, %get3A_8] : memref<2x64xf32, #tpu.memory_space<vmem>>, vector<1x64xf32>
    %mul3A_10 = arith.constant 9.99999974E-5 : f32
    %mul3A_11 = vector.broadcast %mul3A_10 : f32 to vector<1x64xf32>
    %mul3A_12 = arith.mulf %get3A_9, %mul3A_11 : vector<1x64xf32>
    %get3A_13 = arith.constant 2 : index
    %get3A_14 = arith.constant 0 : index
    %get3A_15 = vector.load %arg3[%get3A_13, %get3A_14] : memref<3x64xf32, #tpu.memory_space<vmem>>, vector<1x64xf32>
    %mul3A_16 = arith.mulf %mul3A_6, %get3A_15 : vector<1x64xf32>
    %mul3A_17 = arith.constant 2.000000e+00 : f32
    %mul3A_18 = vector.broadcast %mul3A_17 : f32 to vector<1x64xf32>
    %mul3A_19 = arith.mulf %mul3A_18, %mul3A_16 : vector<1x64xf32>
    %mul3A_20 = arith.mulf %mul3A_19, %mul3A_6 : vector<1x64xf32>
    %sub3A = arith.subf %mul3A_12, %mul3A_20 : vector<1x64xf32>
    %mul3A_21 = arith.mulf %mul3A_16, %mul3A_16 : vector<1x64xf32>
    %add3A = arith.addf %sub3A, %mul3A_21 : vector<1x64xf32>
    %sub3A_22 = vector.broadcast %mul3A_16 : vector<1x64xf32> to vector<1000x64xf32>
    %sub3A_23 = arith.subf %get3A_1, %sub3A_22 : vector<1000x64xf32>
    %get3A_24 = arith.constant 0 : index
    %get3A_25 = arith.constant 0 : index
    %get3A_26 = vector.load %arg3[%get3A_24, %get3A_25] : memref<3x64xf32, #tpu.memory_space<vmem>>, vector<1x64xf32>
    %mul3A_27 = vector.broadcast %get3A_26 : vector<1x64xf32> to vector<1000x64xf32>
    %mul3A_28 = arith.mulf %mul3A_27, %sub3A_23 : vector<1000x64xf32>
    %add3A_29 = arith.constant 9.99999974E-6 : f32
    %add3A_30 = vector.broadcast %add3A_29 : f32 to vector<1x64xf32>
    %add3A_31 = arith.addf %add3A, %add3A_30 : vector<1x64xf32>
    %rsqrt3A = math.rsqrt %add3A_31 : vector<1x64xf32>
    %mul3A_32 = vector.broadcast %rsqrt3A : vector<1x64xf32> to vector<1000x64xf32>
    %mul3A_33 = arith.mulf %mul3A_28, %mul3A_32 : vector<1000x64xf32>
    %get3A_34 = arith.constant 1 : index
    %get3A_35 = arith.constant 0 : index
    %get3A_36 = vector.load %arg3[%get3A_34, %get3A_35] : memref<3x64xf32, #tpu.memory_space<vmem>>, vector<1x64xf32>
    %add3A_37 = vector.broadcast %get3A_36 : vector<1x64xf32> to vector<1000x64xf32>
    %add3A_38 = arith.addf %mul3A_33, %add3A_37 : vector<1000x64xf32>
    %max3A = arith.constant 0.000000e+00 : f32
    %max3A_39 = vector.broadcast %max3A : f32 to vector<1000x64xf32>
    %max3A_40 = arith.maximumf %add3A_38, %max3A_39 : vector<1000x64xf32>
    %get3A_41 = arith.constant 0 : index
    %get3A_42 = arith.constant 0 : index
    %get3A_43 = vector.load %arg4[%get3A_41, %get3A_42] : memref<1000x1xf32, #tpu.memory_space<vmem>>, vector<1000x1xf32>
    %mul3A_44 = vector.broadcast %get3A_43 : vector<1000x1xf32> to vector<1000x64xf32>
    %mul3A_45 = arith.mulf %mul3A_44, %max3A_40 : vector<1000x64xf32>
    %swap3A = arith.constant 0 : index
    %swap3A_46 = arith.constant 0 : index
    %swap3A_47 = vector.load %arg5[%swap3A, %swap3A_46] : memref<1000x64xf32, #tpu.memory_space<vmem>>, vector<1000x64xf32>
    tpu.vector_store %arg5[%swap3A, %swap3A_46], %mul3A_45 {strides = array<i32>} : memref<1000x64xf32, #tpu.memory_space<vmem>>, vector<1000x64xf32>,
    return
  }
  func.func @transform_0(%arg0: i32) -> (i32, i32) {
    %c0_i32 = arith.constant 0 : i32
    %c0_i32_0 = arith.constant 0 : i32
    return %arg0, %c0_i32 : i32, i32
  }
  func.func @transform_1(%arg0: i32) -> (i32, i32) {
    %c0_i32 = arith.constant 0 : i32
    %c0_i32_0 = arith.constant 0 : i32
    %c0_i32_1 = arith.constant 0 : i32
    return %c0_i32, %c0_i32_0 : i32, i32
  }
  func.func @transform_2(%arg0: i32) -> (i32, i32) {
    %c0_i32 = arith.constant 0 : i32
    %c0_i32_0 = arith.constant 0 : i32
    %c0_i32_1 = arith.constant 0 : i32
    return %c0_i32, %c0_i32_0 : i32, i32
  }
  func.func @transform_3(%arg0: i32) -> (i32, i32) {
    %c0_i32 = arith.constant 0 : i32
    %c0_i32_0 = arith.constant 0 : i32
    return %arg0, %c0_i32 : i32, i32
  }
  func.func @transform_4(%arg0: i32) -> (i32, i32) {
    %c0_i32 = arith.constant 0 : i32
    %c0_i32_0 = arith.constant 0 : i32
    return %arg0, %c0_i32 : i32, i32
  }
}

module attributes {stable_mosaic.version = 14 : i64} {
  func.func @_feature_body(%arg0: memref<4096x1xi32, #tpu.memory_space<vmem>>, %arg1: memref<4096x1xi32, #tpu.memory_space<vmem>>, %arg2: memref<128x10000xf32, #tpu.memory_space<vmem>>, %arg3: memref<10000x64xf32, #tpu.memory_space<vmem>>, %arg4: memref<1x64xf32, #tpu.memory_space<vmem>>, %arg5: memref<3x64xf32, #tpu.memory_space<vmem>>, %arg6: memref<128x64xf32, #tpu.memory_space<vmem>>) attributes {dimension_semantics = [], scalar_prefetch = 0 : i64, scratch_operands = 0 : i64, tpu.core_type = #tpu.core_type<tc>} {
    %iota3A = tpu.iota {dimensions = array<i32: 1>} : vector<4096x128xi32>
    %get3A = arith.constant 0 : index
    %get3A_0 = arith.constant 0 : index
    %get3A_1 = vector.load %arg0[%get3A, %get3A_0] : memref<4096x1xi32, #tpu.memory_space<vmem>>, vector<4096x1xi32>
    %eq3A = vector.broadcast %get3A_1 : vector<4096x1xi32> to vector<4096x128xi32>
    %eq3A_2 = arith.cmpi eq, %eq3A, %iota3A : vector<4096x128xi32>
    %convert_element_type3A = arith.extui %eq3A_2 : vector<4096x128xi1> to vector<4096x128xi32>
    %convert_element_type3A_3 = arith.sitofp %convert_element_type3A : vector<4096x128xi32> to vector<4096x128xf32>
    %get3A_4 = arith.constant 0 : index
    %get3A_5 = arith.constant 0 : index
    %get3A_6 = vector.load %arg1[%get3A_4, %get3A_5] : memref<4096x1xi32, #tpu.memory_space<vmem>>, vector<4096x1xi32>
    %eq3A_7 = vector.broadcast %get3A_6 : vector<4096x1xi32> to vector<4096x128xi32>
    %eq3A_8 = arith.cmpi eq, %eq3A_7, %iota3A : vector<4096x128xi32>
    %convert_element_type3A_9 = arith.extui %eq3A_8 : vector<4096x128xi1> to vector<4096x128xi32>
    %convert_element_type3A_10 = arith.sitofp %convert_element_type3A_9 : vector<4096x128xi32> to vector<4096x128xf32>
    %dot_general3A = arith.constant dense<0.000000e+00> : vector<128x128xf32>
    %dot_general3A_11 = tpu.matmul %convert_element_type3A_10, %convert_element_type3A_3, %dot_general3A {dimension_numbers = #tpu.dot_dimension_numbers<[0], [0], [1], [1], [0, 1, 1, 1], [], []>, transpose_lhs_hint = false} : vector<4096x128xf32>, vector<4096x128xf32>, vector<128x128xf32> -> vector<128x128xf32>
    %reduce_sum3A = arith.constant dense<0.000000e+00> : vector<128xf32>
    %reduce_sum3A_12 = vector.multi_reduction <add>, %dot_general3A_11, %reduce_sum3A [1] : vector<128x128xf32> to vector<128xf32>
    %add3A = arith.constant 1.000000e+00 : f32
    %add3A_13 = vector.broadcast %add3A : f32 to vector<128xf32>
    %add3A_14 = arith.addf %reduce_sum3A_12, %add3A_13 : vector<128xf32>
    %rsqrt3A = math.rsqrt %add3A_14 : vector<128xf32>
    %iota3A_15 = tpu.iota {dimensions = array<i32: 0>} : vector<128x128xi32>
    %iota3A_16 = tpu.iota {dimensions = array<i32: 1>} : vector<128x128xi32>
    %broadcast_in_dim3A = vector.shape_cast %rsqrt3A : vector<128xf32> to vector<128x1xf32>
    %mul3A = vector.broadcast %broadcast_in_dim3A : vector<128x1xf32> to vector<128x128xf32>
    %mul3A_17 = arith.mulf %mul3A, %dot_general3A_11 : vector<128x128xf32>
    %broadcast_in_dim3A_18 = vector.shape_cast %rsqrt3A : vector<128xf32> to vector<1x128xf32>
    %mul3A_19 = vector.broadcast %broadcast_in_dim3A_18 : vector<1x128xf32> to vector<128x128xf32>
    %mul3A_20 = arith.mulf %mul3A_17, %mul3A_19 : vector<128x128xf32>
    %eq3A_21 = arith.cmpi eq, %iota3A_15, %iota3A_16 : vector<128x128xi32>
    %mul3A_22 = arith.mulf %rsqrt3A, %rsqrt3A : vector<128xf32>
    %broadcast_in_dim3A_23 = vector.shape_cast %mul3A_22 : vector<128xf32> to vector<1x128xf32>
    %jit3A = arith.constant 0.000000e+00 : f32
    %broadcast_in_dim3A_24 = vector.shape_cast %broadcast_in_dim3A_23 : vector<1x128xf32> to vector<1x128xf32>
    %broadcast_in_dim3A_25 = vector.broadcast %broadcast_in_dim3A_24 : vector<1x128xf32> to vector<128x128xf32>
    %broadcast_in_dim3A_26 = vector.broadcast %jit3A : f32 to vector<128x128xf32>
    %select_n3A = arith.select %eq3A_21, %broadcast_in_dim3A_25, %broadcast_in_dim3A_26 : vector<128x128xi1>, vector<128x128xf32>
    %add3A_27 = arith.addf %mul3A_20, %select_n3A : vector<128x128xf32>
    %get3A_28 = arith.constant 0 : index
    %get3A_29 = arith.constant 0 : index
    %get3A_30 = vector.load %arg2[%get3A_28, %get3A_29] : memref<128x10000xf32, #tpu.memory_space<vmem>>, vector<128x10000xf32>
    %get3A_31 = arith.constant 0 : index
    %get3A_32 = arith.constant 0 : index
    %get3A_33 = vector.load %arg3[%get3A_31, %get3A_32] : memref<10000x64xf32, #tpu.memory_space<vmem>>, vector<10000x64xf32>
    %dot_general3A_34 = arith.constant dense<0.000000e+00> : vector<128x64xf32>
    %dot_general3A_35 = tpu.matmul %get3A_30, %get3A_33, %dot_general3A_34 {dimension_numbers = #tpu.dot_dimension_numbers<[1], [0], [0], [1], [0, 0, 1, 1], [], []>, transpose_lhs_hint = false} : vector<128x10000xf32>, vector<10000x64xf32>, vector<128x64xf32> -> vector<128x64xf32>
    %dot_general3A_36 = arith.constant dense<0.000000e+00> : vector<128x64xf32>
    %dot_general3A_37 = tpu.matmul %add3A_27, %dot_general3A_35, %dot_general3A_36 {dimension_numbers = #tpu.dot_dimension_numbers<[1], [0], [0], [1], [0, 0, 1, 1], [], []>, transpose_lhs_hint = false} : vector<128x128xf32>, vector<128x64xf32>, vector<128x64xf32> -> vector<128x64xf32>
    %get3A_38 = arith.constant 0 : index
    %get3A_39 = arith.constant 0 : index
    %get3A_40 = vector.load %arg4[%get3A_38, %get3A_39] : memref<1x64xf32, #tpu.memory_space<vmem>>, vector<1x64xf32>
    %add3A_41 = vector.broadcast %get3A_40 : vector<1x64xf32> to vector<128x64xf32>
    %add3A_42 = arith.addf %dot_general3A_37, %add3A_41 : vector<128x64xf32>
    %reduce_sum3A_43 = arith.constant dense<0.000000e+00> : vector<64xf32>
    %reduce_sum3A_44 = vector.multi_reduction <add>, %add3A_42, %reduce_sum3A_43 [0] : vector<128x64xf32> to vector<64xf32>
    %broadcast_in_dim3A_45 = vector.shape_cast %reduce_sum3A_44 : vector<64xf32> to vector<1x64xf32>
    %div3A = arith.constant 1.280000e+02 : f32
    %div3A_46 = vector.broadcast %div3A : f32 to vector<1x64xf32>
    %div3A_47 = arith.divf %broadcast_in_dim3A_45, %div3A_46 : vector<1x64xf32>
    %get3A_48 = arith.constant 2 : index
    %get3A_49 = arith.constant 0 : index
    %get3A_50 = vector.load %arg5[%get3A_48, %get3A_49] : memref<3x64xf32, #tpu.memory_space<vmem>>, vector<1x64xf32>
    %mul3A_51 = arith.mulf %div3A_47, %get3A_50 : vector<1x64xf32>
    %sub3A = vector.broadcast %mul3A_51 : vector<1x64xf32> to vector<128x64xf32>
    %sub3A_52 = arith.subf %add3A_42, %sub3A : vector<128x64xf32>
    %mul3A_53 = arith.mulf %sub3A_52, %sub3A_52 : vector<128x64xf32>
    %reduce_sum3A_54 = arith.constant dense<0.000000e+00> : vector<64xf32>
    %reduce_sum3A_55 = vector.multi_reduction <add>, %mul3A_53, %reduce_sum3A_54 [0] : vector<128x64xf32> to vector<64xf32>
    %broadcast_in_dim3A_56 = vector.shape_cast %reduce_sum3A_55 : vector<64xf32> to vector<1x64xf32>
    %div3A_57 = arith.constant 1.280000e+02 : f32
    %div3A_58 = vector.broadcast %div3A_57 : f32 to vector<1x64xf32>
    %div3A_59 = arith.divf %broadcast_in_dim3A_56, %div3A_58 : vector<1x64xf32>
    %get3A_60 = arith.constant 0 : index
    %get3A_61 = arith.constant 0 : index
    %get3A_62 = vector.load %arg5[%get3A_60, %get3A_61] : memref<3x64xf32, #tpu.memory_space<vmem>>, vector<1x64xf32>
    %mul3A_63 = vector.broadcast %get3A_62 : vector<1x64xf32> to vector<128x64xf32>
    %mul3A_64 = arith.mulf %mul3A_63, %sub3A_52 : vector<128x64xf32>
    %add3A_65 = arith.constant 9.99999974E-6 : f32
    %add3A_66 = vector.broadcast %add3A_65 : f32 to vector<1x64xf32>
    %add3A_67 = arith.addf %div3A_59, %add3A_66 : vector<1x64xf32>
    %rsqrt3A_68 = math.rsqrt %add3A_67 : vector<1x64xf32>
    %mul3A_69 = vector.broadcast %rsqrt3A_68 : vector<1x64xf32> to vector<128x64xf32>
    %mul3A_70 = arith.mulf %mul3A_64, %mul3A_69 : vector<128x64xf32>
    %get3A_71 = arith.constant 1 : index
    %get3A_72 = arith.constant 0 : index
    %get3A_73 = vector.load %arg5[%get3A_71, %get3A_72] : memref<3x64xf32, #tpu.memory_space<vmem>>, vector<1x64xf32>
    %add3A_74 = vector.broadcast %get3A_73 : vector<1x64xf32> to vector<128x64xf32>
    %add3A_75 = arith.addf %mul3A_70, %add3A_74 : vector<128x64xf32>
    %max3A = arith.constant 0.000000e+00 : f32
    %max3A_76 = vector.broadcast %max3A : f32 to vector<128x64xf32>
    %max3A_77 = arith.maximumf %add3A_75, %max3A_76 : vector<128x64xf32>
    %dot_general3A_78 = arith.constant dense<0.000000e+00> : vector<128x64xf32>
    %dot_general3A_79 = tpu.matmul %add3A_27, %max3A_77, %dot_general3A_78 {dimension_numbers = #tpu.dot_dimension_numbers<[1], [0], [0], [1], [0, 0, 1, 1], [], []>, transpose_lhs_hint = false} : vector<128x128xf32>, vector<128x64xf32>, vector<128x64xf32> -> vector<128x64xf32>
    %swap3A = arith.constant 0 : index
    %swap3A_80 = arith.constant 0 : index
    %swap3A_81 = vector.load %arg6[%swap3A, %swap3A_80] : memref<128x64xf32, #tpu.memory_space<vmem>>, vector<128x64xf32>
    tpu.vector_store %arg6[%swap3A, %swap3A_80], %dot_general3A_79 {strides = array<i32>} : memref<128x64xf32, #tpu.memory_space<vmem>>, vector<128x64xf32>,
    return
  }
}

module attributes {stable_mosaic.version = 14 : i64} {
  func.func @_combine_mm_body(%arg0: i32, %arg1: memref<1000x64xf32, #tpu.memory_space<vmem>>, %arg2: memref<1000x64xf32, #tpu.memory_space<vmem>>, %arg3: memref<1000x64xf32, #tpu.memory_space<vmem>>, %arg4: memref<1000x1xf32, #tpu.memory_space<vmem>>, %arg5: memref<64x128xf32, #tpu.memory_space<vmem>>, %arg6: memref<1x128xf32, #tpu.memory_space<vmem>>, %arg7: memref<1000x128xf32, #tpu.memory_space<vmem>>, %arg8: memref<2x128xf32, #tpu.memory_space<vmem>>) attributes {dimension_semantics = [#tpu.dimension_semantics<arbitrary>], iteration_bounds = array<i64: 10>, scalar_prefetch = 0 : i64, scratch_operands = 0 : i64, tpu.core_type = #tpu.core_type<tc>, window_params = [{transform_indices = @transform_0, window_bounds = array<i64: 1000, 64>}, {transform_indices = @transform_1, window_bounds = array<i64: 1000, 64>}, {transform_indices = @transform_2, window_bounds = array<i64: 1000, 64>}, {transform_indices = @transform_3, window_bounds = array<i64: 1000, 1>}, {pipeline_mode = #tpu.pipeline_mode<synchronous>, transform_indices = @transform_4, window_bounds = array<i64: 64, 128>}, {pipeline_mode = #tpu.pipeline_mode<synchronous>, transform_indices = @transform_5, window_bounds = array<i64: 1, 128>}, {transform_indices = @transform_6, window_bounds = array<i64: 1000, 128>}, {pipeline_mode = #tpu.pipeline_mode<synchronous>, transform_indices = @transform_7, window_bounds = array<i64: 2, 128>}]} {
    %get3A = arith.constant 0 : index
    %get3A_0 = arith.constant 0 : index
    %get3A_1 = vector.load %arg1[%get3A, %get3A_0] : memref<1000x64xf32, #tpu.memory_space<vmem>>, vector<1000x64xf32>
    %get3A_2 = arith.constant 0 : index
    %get3A_3 = arith.constant 0 : index
    %get3A_4 = vector.load %arg2[%get3A_2, %get3A_3] : memref<1000x64xf32, #tpu.memory_space<vmem>>, vector<1000x64xf32>
    %add3A = arith.addf %get3A_1, %get3A_4 : vector<1000x64xf32>
    %get3A_5 = arith.constant 0 : index
    %get3A_6 = arith.constant 0 : index
    %get3A_7 = vector.load %arg3[%get3A_5, %get3A_6] : memref<1000x64xf32, #tpu.memory_space<vmem>>, vector<1000x64xf32>
    %add3A_8 = arith.addf %add3A, %get3A_7 : vector<1000x64xf32>
    %get3A_9 = arith.constant 0 : index
    %get3A_10 = arith.constant 0 : index
    %get3A_11 = vector.load %arg5[%get3A_9, %get3A_10] : memref<64x128xf32, #tpu.memory_space<vmem>>, vector<64x128xf32>
    %dot_general3A = arith.constant dense<0.000000e+00> : vector<1000x128xf32>
    %dot_general3A_12 = tpu.matmul %add3A_8, %get3A_11, %dot_general3A {dimension_numbers = #tpu.dot_dimension_numbers<[1], [0], [0], [1], [0, 0, 1, 1], [], []>, transpose_lhs_hint = false} : vector<1000x64xf32>, vector<64x128xf32>, vector<1000x128xf32> -> vector<1000x128xf32>
    %get3A_13 = arith.constant 0 : index
    %get3A_14 = arith.constant 0 : index
    %get3A_15 = vector.load %arg4[%get3A_13, %get3A_14] : memref<1000x1xf32, #tpu.memory_space<vmem>>, vector<1000x1xf32>
    %mul3A = vector.broadcast %get3A_15 : vector<1000x1xf32> to vector<1000x128xf32>
    %mul3A_16 = arith.mulf %mul3A, %dot_general3A_12 : vector<1000x128xf32>
    %get3A_17 = arith.constant 0 : index
    %get3A_18 = arith.constant 0 : index
    %get3A_19 = vector.load %arg6[%get3A_17, %get3A_18] : memref<1x128xf32, #tpu.memory_space<vmem>>, vector<1x128xf32>
    %add3A_20 = vector.broadcast %get3A_19 : vector<1x128xf32> to vector<1000x128xf32>
    %add3A_21 = arith.addf %mul3A_16, %add3A_20 : vector<1000x128xf32>
    %swap3A = arith.constant 0 : index
    %swap3A_22 = arith.constant 0 : index
    %swap3A_23 = vector.load %arg7[%swap3A, %swap3A_22] : memref<1000x128xf32, #tpu.memory_space<vmem>>, vector<1000x128xf32>
    tpu.vector_store %arg7[%swap3A, %swap3A_22], %add3A_21 {strides = array<i32>} : memref<1000x128xf32, #tpu.memory_space<vmem>>, vector<1000x128xf32>,
    %eq3A = arith.constant 0 : i32
    %eq3A_24 = arith.cmpi eq, %arg0, %eq3A : i32
    %convert_element_type3A = arith.extui %eq3A_24 : i1 to i32
    %cond3A = arith.constant 0 : i32
    %cond3A_25 = arith.cmpi ne, %convert_element_type3A, %cond3A : i32
    scf.if %cond3A_25 {
      %broadcast_in_dim3A_45 = arith.constant 0.000000e+00 : f32
      %broadcast_in_dim3A_46 = vector.broadcast %broadcast_in_dim3A_45 : f32 to vector<2x128xf32>
      %swap3A_47 = arith.constant 0 : index
      %swap3A_48 = arith.constant 0 : index
      %swap3A_49 = vector.load %arg8[%swap3A_47, %swap3A_48] : memref<2x128xf32, #tpu.memory_space<vmem>>, vector<2x128xf32>
      tpu.vector_store %arg8[%swap3A_47, %swap3A_48], %broadcast_in_dim3A_46 {strides = array<i32>} : memref<2x128xf32, #tpu.memory_space<vmem>>, vector<2x128xf32>,
    } else {
    }
    %get3A_26 = arith.constant 0 : index
    %get3A_27 = arith.constant 0 : index
    %get3A_28 = vector.load %arg8[%get3A_26, %get3A_27] : memref<2x128xf32, #tpu.memory_space<vmem>>, vector<1x128xf32>
    %reduce_sum3A = arith.constant dense<0.000000e+00> : vector<128xf32>
    %reduce_sum3A_29 = vector.multi_reduction <add>, %add3A_21, %reduce_sum3A [0] : vector<1000x128xf32> to vector<128xf32>
    %broadcast_in_dim3A = vector.shape_cast %reduce_sum3A_29 : vector<128xf32> to vector<1x128xf32>
    %add3A_30 = arith.addf %get3A_28, %broadcast_in_dim3A : vector<1x128xf32>
    %swap3A_31 = arith.constant 0 : index
    %swap3A_32 = arith.constant 0 : index
    %swap3A_33 = vector.load %arg8[%swap3A_31, %swap3A_32] : memref<2x128xf32, #tpu.memory_space<vmem>>, vector<1x128xf32>
    tpu.vector_store %arg8[%swap3A_31, %swap3A_32], %add3A_30 {strides = array<i32>} : memref<2x128xf32, #tpu.memory_space<vmem>>, vector<1x128xf32>,
    %get3A_34 = arith.constant 1 : index
    %get3A_35 = arith.constant 0 : index
    %get3A_36 = vector.load %arg8[%get3A_34, %get3A_35] : memref<2x128xf32, #tpu.memory_space<vmem>>, vector<1x128xf32>
    %mul3A_37 = arith.mulf %add3A_21, %add3A_21 : vector<1000x128xf32>
    %reduce_sum3A_38 = arith.constant dense<0.000000e+00> : vector<128xf32>
    %reduce_sum3A_39 = vector.multi_reduction <add>, %mul3A_37, %reduce_sum3A_38 [0] : vector<1000x128xf32> to vector<128xf32>
    %broadcast_in_dim3A_40 = vector.shape_cast %reduce_sum3A_39 : vector<128xf32> to vector<1x128xf32>
    %add3A_41 = arith.addf %get3A_36, %broadcast_in_dim3A_40 : vector<1x128xf32>
    %swap3A_42 = arith.constant 1 : index
    %swap3A_43 = arith.constant 0 : index
    %swap3A_44 = vector.load %arg8[%swap3A_42, %swap3A_43] : memref<2x128xf32, #tpu.memory_space<vmem>>, vector<1x128xf32>
    tpu.vector_store %arg8[%swap3A_42, %swap3A_43], %add3A_41 {strides = array<i32>} : memref<2x128xf32, #tpu.memory_space<vmem>>, vector<1x128xf32>,
    return
  }
  func.func @transform_0(%arg0: i32) -> (i32, i32) {
    %c0_i32 = arith.constant 0 : i32
    %c0_i32_0 = arith.constant 0 : i32
    return %arg0, %c0_i32 : i32, i32
  }
  func.func @transform_1(%arg0: i32) -> (i32, i32) {
    %c0_i32 = arith.constant 0 : i32
    %c0_i32_0 = arith.constant 0 : i32
    return %arg0, %c0_i32 : i32, i32
  }
  func.func @transform_2(%arg0: i32) -> (i32, i32) {
    %c0_i32 = arith.constant 0 : i32
    %c0_i32_0 = arith.constant 0 : i32
    return %arg0, %c0_i32 : i32, i32
  }
  func.func @transform_3(%arg0: i32) -> (i32, i32) {
    %c0_i32 = arith.constant 0 : i32
    %c0_i32_0 = arith.constant 0 : i32
    return %arg0, %c0_i32 : i32, i32
  }
  func.func @transform_4(%arg0: i32) -> (i32, i32) {
    %c0_i32 = arith.constant 0 : i32
    %c0_i32_0 = arith.constant 0 : i32
    %c0_i32_1 = arith.constant 0 : i32
    return %c0_i32, %c0_i32_0 : i32, i32
  }
  func.func @transform_5(%arg0: i32) -> (i32, i32) {
    %c0_i32 = arith.constant 0 : i32
    %c0_i32_0 = arith.constant 0 : i32
    %c0_i32_1 = arith.constant 0 : i32
    return %c0_i32, %c0_i32_0 : i32, i32
  }
  func.func @transform_6(%arg0: i32) -> (i32, i32) {
    %c0_i32 = arith.constant 0 : i32
    %c0_i32_0 = arith.constant 0 : i32
    return %arg0, %c0_i32 : i32, i32
  }
  func.func @transform_7(%arg0: i32) -> (i32, i32) {
    %c0_i32 = arith.constant 0 : i32
    %c0_i32_0 = arith.constant 0 : i32
    %c0_i32_1 = arith.constant 0 : i32
    return %c0_i32, %c0_i32_0 : i32, i32
  }
}

module attributes {stable_mosaic.version = 14 : i64} {
  func.func @_final_body(%arg0: i32, %arg1: memref<1000x128xf32, #tpu.memory_space<vmem>>, %arg2: memref<2x128xf32, #tpu.memory_space<vmem>>, %arg3: memref<3x128xf32, #tpu.memory_space<vmem>>, %arg4: memref<128x64xf32, #tpu.memory_space<vmem>>, %arg5: memref<1000x64xf32, #tpu.memory_space<vmem>>, %arg6: memref<1000x1xf32, #tpu.memory_space<vmem>>, %arg7: memref<1000x3xf32, #tpu.memory_space<vmem>>, %arg8: memref<1000x128xf32, #tpu.memory_space<vmem>>) attributes {dimension_semantics = [#tpu.dimension_semantics<arbitrary>], iteration_bounds = array<i64: 10>, scalar_prefetch = 0 : i64, scratch_operands = 0 : i64, tpu.core_type = #tpu.core_type<tc>, window_params = [{transform_indices = @transform_0, window_bounds = array<i64: 1000, 128>}, {pipeline_mode = #tpu.pipeline_mode<synchronous>, transform_indices = @transform_1, window_bounds = array<i64: 2, 128>}, {pipeline_mode = #tpu.pipeline_mode<synchronous>, transform_indices = @transform_2, window_bounds = array<i64: 3, 128>}, {pipeline_mode = #tpu.pipeline_mode<synchronous>, transform_indices = @transform_3, window_bounds = array<i64: 128, 64>}, {transform_indices = @transform_4, window_bounds = array<i64: 1000, 64>}, {transform_indices = @transform_5, window_bounds = array<i64: 1000, 1>}, {transform_indices = @transform_6, window_bounds = array<i64: 1000, 3>}, {transform_indices = @transform_7, window_bounds = array<i64: 1000, 128>}]} {
    %get3A = arith.constant 0 : index
    %get3A_0 = arith.constant 0 : index
    %get3A_1 = vector.load %arg1[%get3A, %get3A_0] : memref<1000x128xf32, #tpu.memory_space<vmem>>, vector<1000x128xf32>
    %get3A_2 = arith.constant 0 : index
    %get3A_3 = arith.constant 0 : index
    %get3A_4 = vector.load %arg2[%get3A_2, %get3A_3] : memref<2x128xf32, #tpu.memory_space<vmem>>, vector<1x128xf32>
    %mul3A = arith.constant 9.99999974E-5 : f32
    %mul3A_5 = vector.broadcast %mul3A : f32 to vector<1x128xf32>
    %mul3A_6 = arith.mulf %get3A_4, %mul3A_5 : vector<1x128xf32>
    %get3A_7 = arith.constant 1 : index
    %get3A_8 = arith.constant 0 : index
    %get3A_9 = vector.load %arg2[%get3A_7, %get3A_8] : memref<2x128xf32, #tpu.memory_space<vmem>>, vector<1x128xf32>
    %mul3A_10 = arith.constant 9.99999974E-5 : f32
    %mul3A_11 = vector.broadcast %mul3A_10 : f32 to vector<1x128xf32>
    %mul3A_12 = arith.mulf %get3A_9, %mul3A_11 : vector<1x128xf32>
    %get3A_13 = arith.constant 2 : index
    %get3A_14 = arith.constant 0 : index
    %get3A_15 = vector.load %arg3[%get3A_13, %get3A_14] : memref<3x128xf32, #tpu.memory_space<vmem>>, vector<1x128xf32>
    %mul3A_16 = arith.mulf %mul3A_6, %get3A_15 : vector<1x128xf32>
    %mul3A_17 = arith.constant 2.000000e+00 : f32
    %mul3A_18 = vector.broadcast %mul3A_17 : f32 to vector<1x128xf32>
    %mul3A_19 = arith.mulf %mul3A_18, %mul3A_16 : vector<1x128xf32>
    %mul3A_20 = arith.mulf %mul3A_19, %mul3A_6 : vector<1x128xf32>
    %sub3A = arith.subf %mul3A_12, %mul3A_20 : vector<1x128xf32>
    %mul3A_21 = arith.mulf %mul3A_16, %mul3A_16 : vector<1x128xf32>
    %add3A = arith.addf %sub3A, %mul3A_21 : vector<1x128xf32>
    %sub3A_22 = vector.broadcast %mul3A_16 : vector<1x128xf32> to vector<1000x128xf32>
    %sub3A_23 = arith.subf %get3A_1, %sub3A_22 : vector<1000x128xf32>
    %get3A_24 = arith.constant 0 : index
    %get3A_25 = arith.constant 0 : index
    %get3A_26 = vector.load %arg3[%get3A_24, %get3A_25] : memref<3x128xf32, #tpu.memory_space<vmem>>, vector<1x128xf32>
    %mul3A_27 = vector.broadcast %get3A_26 : vector<1x128xf32> to vector<1000x128xf32>
    %mul3A_28 = arith.mulf %mul3A_27, %sub3A_23 : vector<1000x128xf32>
    %add3A_29 = arith.constant 9.99999974E-6 : f32
    %add3A_30 = vector.broadcast %add3A_29 : f32 to vector<1x128xf32>
    %add3A_31 = arith.addf %add3A, %add3A_30 : vector<1x128xf32>
    %rsqrt3A = math.rsqrt %add3A_31 : vector<1x128xf32>
    %mul3A_32 = vector.broadcast %rsqrt3A : vector<1x128xf32> to vector<1000x128xf32>
    %mul3A_33 = arith.mulf %mul3A_28, %mul3A_32 : vector<1000x128xf32>
    %get3A_34 = arith.constant 1 : index
    %get3A_35 = arith.constant 0 : index
    %get3A_36 = vector.load %arg3[%get3A_34, %get3A_35] : memref<3x128xf32, #tpu.memory_space<vmem>>, vector<1x128xf32>
    %add3A_37 = vector.broadcast %get3A_36 : vector<1x128xf32> to vector<1000x128xf32>
    %add3A_38 = arith.addf %mul3A_33, %add3A_37 : vector<1000x128xf32>
    %max3A = arith.constant 0.000000e+00 : f32
    %max3A_39 = vector.broadcast %max3A : f32 to vector<1000x128xf32>
    %max3A_40 = arith.maximumf %add3A_38, %max3A_39 : vector<1000x128xf32>
    %get3A_41 = arith.constant 0 : index
    %get3A_42 = arith.constant 0 : index
    %get3A_43 = vector.load %arg5[%get3A_41, %get3A_42] : memref<1000x64xf32, #tpu.memory_space<vmem>>, vector<1000x64xf32>
    %get3A_44 = arith.constant 0 : index
    %get3A_45 = arith.constant 0 : index
    %get3A_46 = vector.load %arg4[%get3A_44, %get3A_45] : memref<128x64xf32, #tpu.memory_space<vmem>>, vector<128x64xf32>
    %dot_general3A = arith.constant dense<0.000000e+00> : vector<1000x128xf32>
    %dot_general3A_47 = tpu.matmul %get3A_43, %get3A_46, %dot_general3A {dimension_numbers = #tpu.dot_dimension_numbers<[1], [1], [0], [0], [0, 0, 1, 0], [], []>, transpose_lhs_hint = false} : vector<1000x64xf32>, vector<128x64xf32>, vector<1000x128xf32> -> vector<1000x128xf32>
    %get3A_48 = arith.constant 0 : index
    %get3A_49 = arith.constant 0 : index
    %get3A_50 = vector.load %arg6[%get3A_48, %get3A_49] : memref<1000x1xf32, #tpu.memory_space<vmem>>, vector<1000x1xf32>
    %add3A_51 = vector.broadcast %get3A_50 : vector<1000x1xf32> to vector<1000x128xf32>
    %add3A_52 = arith.addf %dot_general3A_47, %add3A_51 : vector<1000x128xf32>
    %reduce_sum3A = arith.constant dense<0.000000e+00> : vector<1000xf32>
    %reduce_sum3A_53 = vector.multi_reduction <add>, %add3A_52, %reduce_sum3A [1] : vector<1000x128xf32> to vector<1000xf32>
    %broadcast_in_dim3A = vector.shape_cast %reduce_sum3A_53 : vector<1000xf32> to vector<1000x1xf32>
    %div3A = arith.constant 1.280000e+02 : f32
    %div3A_54 = vector.broadcast %div3A : f32 to vector<1000x1xf32>
    %div3A_55 = arith.divf %broadcast_in_dim3A, %div3A_54 : vector<1000x1xf32>
    %get3A_56 = arith.constant 0 : index
    %get3A_57 = arith.constant 2 : index
    %get3A_58 = vector.load %arg7[%get3A_56, %get3A_57] : memref<1000x3xf32, #tpu.memory_space<vmem>>, vector<1000x1xf32>
    %mul3A_59 = arith.mulf %div3A_55, %get3A_58 : vector<1000x1xf32>
    %sub3A_60 = vector.broadcast %mul3A_59 : vector<1000x1xf32> to vector<1000x128xf32>
    %sub3A_61 = arith.subf %add3A_52, %sub3A_60 : vector<1000x128xf32>
    %mul3A_62 = arith.mulf %sub3A_61, %sub3A_61 : vector<1000x128xf32>
    %reduce_sum3A_63 = arith.constant dense<0.000000e+00> : vector<1000xf32>
    %reduce_sum3A_64 = vector.multi_reduction <add>, %mul3A_62, %reduce_sum3A_63 [1] : vector<1000x128xf32> to vector<1000xf32>
    %broadcast_in_dim3A_65 = vector.shape_cast %reduce_sum3A_64 : vector<1000xf32> to vector<1000x1xf32>
    %div3A_66 = arith.constant 1.280000e+02 : f32
    %div3A_67 = vector.broadcast %div3A_66 : f32 to vector<1000x1xf32>
    %div3A_68 = arith.divf %broadcast_in_dim3A_65, %div3A_67 : vector<1000x1xf32>
    %get3A_69 = arith.constant 0 : index
    %get3A_70 = arith.constant 0 : index
    %get3A_71 = vector.load %arg7[%get3A_69, %get3A_70] : memref<1000x3xf32, #tpu.memory_space<vmem>>, vector<1000x1xf32>
    %mul3A_72 = vector.broadcast %get3A_71 : vector<1000x1xf32> to vector<1000x128xf32>
    %mul3A_73 = arith.mulf %mul3A_72, %sub3A_61 : vector<1000x128xf32>
    %add3A_74 = arith.constant 9.99999974E-6 : f32
    %add3A_75 = vector.broadcast %add3A_74 : f32 to vector<1000x1xf32>
    %add3A_76 = arith.addf %div3A_68, %add3A_75 : vector<1000x1xf32>
    %rsqrt3A_77 = math.rsqrt %add3A_76 : vector<1000x1xf32>
    %mul3A_78 = vector.broadcast %rsqrt3A_77 : vector<1000x1xf32> to vector<1000x128xf32>
    %mul3A_79 = arith.mulf %mul3A_73, %mul3A_78 : vector<1000x128xf32>
    %get3A_80 = arith.constant 0 : index
    %get3A_81 = arith.constant 1 : index
    %get3A_82 = vector.load %arg7[%get3A_80, %get3A_81] : memref<1000x3xf32, #tpu.memory_space<vmem>>, vector<1000x1xf32>
    %add3A_83 = vector.broadcast %get3A_82 : vector<1000x1xf32> to vector<1000x128xf32>
    %add3A_84 = arith.addf %mul3A_79, %add3A_83 : vector<1000x128xf32>
    %max3A_85 = arith.constant 0.000000e+00 : f32
    %max3A_86 = vector.broadcast %max3A_85 : f32 to vector<1000x128xf32>
    %max3A_87 = arith.maximumf %add3A_84, %max3A_86 : vector<1000x128xf32>
    %add3A_88 = arith.addf %max3A_40, %max3A_87 : vector<1000x128xf32>
    %swap3A = arith.constant 0 : index
    %swap3A_89 = arith.constant 0 : index
    %swap3A_90 = vector.load %arg8[%swap3A, %swap3A_89] : memref<1000x128xf32, #tpu.memory_space<vmem>>, vector<1000x128xf32>
    tpu.vector_store %arg8[%swap3A, %swap3A_89], %add3A_88 {strides = array<i32>} : memref<1000x128xf32, #tpu.memory_space<vmem>>, vector<1000x128xf32>,
    return
  }
  func.func @transform_0(%arg0: i32) -> (i32, i32) {
    %c0_i32 = arith.constant 0 : i32
    %c0_i32_0 = arith.constant 0 : i32
    return %arg0, %c0_i32 : i32, i32
  }
  func.func @transform_1(%arg0: i32) -> (i32, i32) {
    %c0_i32 = arith.constant 0 : i32
    %c0_i32_0 = arith.constant 0 : i32
    %c0_i32_1 = arith.constant 0 : i32
    return %c0_i32, %c0_i32_0 : i32, i32
  }
  func.func @transform_2(%arg0: i32) -> (i32, i32) {
    %c0_i32 = arith.constant 0 : i32
    %c0_i32_0 = arith.constant 0 : i32
    %c0_i32_1 = arith.constant 0 : i32
    return %c0_i32, %c0_i32_0 : i32, i32
  }
  func.func @transform_3(%arg0: i32) -> (i32, i32) {
    %c0_i32 = arith.constant 0 : i32
    %c0_i32_0 = arith.constant 0 : i32
    %c0_i32_1 = arith.constant 0 : i32
    return %c0_i32, %c0_i32_0 : i32, i32
  }
  func.func @transform_4(%arg0: i32) -> (i32, i32) {
    %c0_i32 = arith.constant 0 : i32
    %c0_i32_0 = arith.constant 0 : i32
    return %arg0, %c0_i32 : i32, i32
  }
  func.func @transform_5(%arg0: i32) -> (i32, i32) {
    %c0_i32 = arith.constant 0 : i32
    %c0_i32_0 = arith.constant 0 : i32
    return %arg0, %c0_i32 : i32, i32
  }
  func.func @transform_6(%arg0: i32) -> (i32, i32) {
    %c0_i32 = arith.constant 0 : i32
    %c0_i32_0 = arith.constant 0 : i32
    return %arg0, %c0_i32 : i32, i32
  }
  func.func @transform_7(%arg0: i32) -> (i32, i32) {
    %c0_i32 = arith.constant 0 : i32
    %c0_i32_0 = arith.constant 0 : i32
    return %arg0, %c0_i32 : i32, i32
  }
}

</mosaic_0001>

<sc_bundles>
// kernel: kernel.12.cloned.1.call-start
scs
__scs_entry_jumppad:
0x0: {  	(pc) =	sbr.rel $0x88, $3  }
0x1: {  	(tag) =	ssettag $0x0;
	lr =	simm.s32 $0x1  }
0x2: {  	[smem:$0x3F89] =	sst lr;
	_ =	strace $0xD0000000  }
0x3: {  	_ = 	snop  }
0x4: {  	_ = 	snop  }
0x5: {  	_ = 	snop  }
0x6: {  	_ = 	snop  }
0x7: {  	_ = 	snop  }
__scs_overlays_trampoline_lowered:
0x8: {  	[smem:$0x3F98] =	sst s0  }
0x9: {  	[smem:$0x3F99] =	sst s1  }
0xa: {  	[smem:$0x3F9A] =	sst s2  }
0xb: {  	[smem:$0x3F9B] =	sst s3  }
0xc: {  	[smem:$0x3F9C] =	sst s4  }
0xd: {  	[smem:$0x3F9D] =	sst s5  }
0xe: {  	[smem:$0x3F9E] =	sst s6  }
0xf: {  	[smem:$0x3F9F] =	sst s7  }
0x10: {  	[smem:$0x3FA0] =	sst s8  }
0x11: {  	[smem:$0x3FA1] =	sst s9;
	s0 =	simm.s32 @!p0 $0x0  }
0x12: {  	s1 =	sld [smem:$0x3F87];
	s0 =	simm.s32 @p0 $0x1  }
0x13: {  	[smem:$0x3FA2] =	sst s0;
	s0 =	simm.s32 @!p1 $0x0  }
0x14: {  	s2 =	sld [smem:$0x3F86];
	s0 =	simm.s32 @p1 $0x1  }
0x15: {  	[smem:$0x3FA3] =	sst s0;
	s0 =	simm.s32 @!p2 $0x0  }
0x16: {  	s3 =	sld [smem:$0x3FDB];
	s0 =	simm.s32 @p2 $0x1  }
0x17: {  	s4 =	simm.s32 $0x1BF5;
	[smem:$0x3FA5] =	sst s0  }
0x18: {  	s0 =	sld [smem:$0x3F88];
	_ =	swait.ge [sflag:s4], $0x0  }
0x19: {  	s7 =	sld [smem:$0x3F89]  }
0x1a: {  	s8 =	sadd.s32 $0xFFFFE003, lr  }
0x1b: {  	s9 =	sadd.s32 $0xFFFFFEF7, lr;
	s5 =	simm.s32 $0xFFFFFFFF;
	p2 =	slt.u32 s8, $0xFFFFF086  }
0x1c: {  	p1 =	slt.u32 s9, $0xF7A;
	s5 =	simm.s32 @!p2 $0x0  }
0x1d: {  	s5 =	simm.s32 @p1 $0x1;
	p0 =	seq.s32 s7, s2  }
0x1e: {  	s7 =	smul.u32 @!p0 $0xF7A, s2;
	p2 =	seq.s32 @!p0 s5, $0x0  }
0x1f: {  	s9 =	smul.u32 $0xF7A, s1;
	s8 =	simm.s32 @!p0 $0x1BF5;
	p2 =	por !p2, p0  }
0x20: {  	[sflag:s8] =	ssyncset.s32 @!p0 $0xFFFFF086;
	s6 =	sadd.s32 @!p0 s3, s7;
	s7 =	simm.s32 @!p0 $0x108  }
0x21: {  	s3 =	sadd.s32 s3, s9;
	s6 =	sadd.s32 @!p0 $0x88, s6;
	s7 =	simm.s32 @p2 $0x1082  }
0x22: {  	[simem:s7], [sflag:s8] =	dma.local @!p0 [hbm:s6], $0xF7A  }
0x23: {  	s9 =	sor.u32 $0xD0000000, s2;
	s6 =	simm.s32 $0x108;
	_ =	swait.ge @!p0 [sflag:s8], $0x0  }
0x24: {  	s3 =	sadd.s32 $0x88, s3;
	s6 =	simm.s32 @!p1 $0x1082;
	[sflag:s4] =	ssyncset.s32 $0xFFFFF086  }
0x25: {  	[simem:s6], [sflag:s4] =	dma.local [hbm:s3], $0xF7A  }
0x26: {  	[smem:$0x3F89] =	sst s1;
	(tag) =	ssettag s2;
	_ =	strace s9  }
0x27: {  	s1 =	sld [smem:$0x3F99]  }
0x28: {  	s2 =	sld [smem:$0x3F9A]  }
0x29: {  	s4 =	sld [smem:$0x3F9C]  }
0x2a: {  	p0 =	seq.s32 s5, $0x0;
	s5 =	sld [smem:$0x3F9D]  }
0x2b: {  	s6 =	sld [smem:$0x3F9E]  }
0x2c: {  	s7 =	sld [smem:$0x3F9F]  }
0x2d: {  	s3 =	simm.s32 $0x108;
	s8 =	sld [smem:$0x3FA0]  }
0x2e: {  	s3 =	simm.s32 @!p0 $0x1082;
	s9 =	sld [smem:$0x3FA1]  }
0x2f: {  	lr =	sadd.s32 s0, s3;
	s0 =	sld [smem:$0x3F98]  }
0x30: {  	s3 =	sld [smem:$0x3F9B]  }
0x31: {  	[smem:$0x3FA4] =	sst s10  }
0x32: {  	s10 =	sld [smem:$0x3FA2];
	_ =	sdelay $0x3  }
0x33: {  	p0 =	seq.s32 s10, $0x1;
	s10 =	sld [smem:$0x3FA4];
	_ =	sdelay $0x3  }
0x34: {  	[smem:$0x3FA4] =	sst s10  }
0x35: {  	s10 =	sld [smem:$0x3FA3];
	_ =	sdelay $0x3  }
0x36: {  	p1 =	seq.s32 s10, $0x1;
	s10 =	sld [smem:$0x3FA4];
	_ =	sdelay $0x3  }
0x37: {  	[smem:$0x3FA4] =	sst s10  }
0x38: {  	s10 =	sld [smem:$0x3FA5]  }
0x39: {  	_ = 	snop;
	(pc) =	sbr.ind lr, $3  }
0x3a: {  	_ = 	snop  }
0x3b: {  	_ = 	snop  }
0x3c: {  	p2 =	seq.s32 s10, $0x1;
	s10 =	sld [smem:$0x3FA4]  }
0x3d: {  	_ =	shalt  }
0x3e: {  	_ =	shalt  }
0x3f: {  	_ =	shalt  }
0x40: {  	_ =	shalt  }
0x41: {  	_ =	shalt  }
0x42: {  	_ =	shalt  }
0x43: {  	_ =	shalt  }
0x44: {  	_ =	shalt  }
0x45: {  	_ =	shalt  }
0x46: {  	_ =	shalt  }
0x47: {  	_ =	shalt  }
0x48: {  	_ =	shalt  }
0x49: {  	_ =	shalt  }
0x4a: {  	_ =	shalt  }
0x4b: {  	_ =	shalt  }
0x4c: {  	_ =	shalt  }
0x4d: {  	_ =	shalt  }
0x4e: {  	_ =	shalt  }
0x4f: {  	_ =	shalt  }
0x50: {  	_ =	shalt  }
0x51: {  	_ =	shalt  }
0x52: {  	_ =	shalt  }
0x53: {  	_ =	shalt  }
0x54: {  	_ =	shalt  }
0x55: {  	_ =	shalt  }
0x56: {  	_ =	shalt  }
0x57: {  	_ =	shalt  }
0x58: {  	_ =	shalt  }
0x59: {  	_ =	shalt  }
0x5a: {  	_ =	shalt  }
0x5b: {  	_ =	shalt  }
0x5c: {  	_ =	shalt  }
0x5d: {  	_ =	shalt  }
0x5e: {  	_ =	shalt  }
0x5f: {  	_ =	shalt  }
0x60: {  	_ =	shalt  }
0x61: {  	_ =	shalt  }
0x62: {  	_ =	shalt  }
0x63: {  	_ =	shalt  }
0x64: {  	_ =	shalt  }
0x65: {  	_ =	shalt  }
0x66: {  	_ =	shalt  }
0x67: {  	_ =	shalt  }
0x68: {  	_ =	shalt  }
0x69: {  	_ =	shalt  }
0x6a: {  	_ =	shalt  }
0x6b: {  	_ =	shalt  }
0x6c: {  	_ =	shalt  }
0x6d: {  	_ =	shalt  }
0x6e: {  	_ =	shalt  }
0x6f: {  	_ =	shalt  }
0x70: {  	_ =	shalt  }
0x71: {  	_ =	shalt  }
0x72: {  	_ =	shalt  }
0x73: {  	_ =	shalt  }
0x74: {  	_ =	shalt  }
0x75: {  	_ =	shalt  }
0x76: {  	_ =	shalt  }
0x77: {  	_ =	shalt  }
0x78: {  	_ =	shalt  }
0x79: {  	_ =	shalt  }
0x7a: {  	_ =	shalt  }
0x7b: {  	_ =	shalt  }
0x7c: {  	_ =	shalt  }
0x7d: {  	_ =	shalt  }
0x7e: {  	_ =	shalt  }
0x7f: {  	_ =	shalt  }
0x80: {  	_ =	shalt  }
0x81: {  	_ =	shalt  }
0x82: {  	_ =	shalt  }
0x83: {  	_ =	shalt  }
0x84: {  	_ =	shalt  }
0x85: {  	_ =	shalt  }
0x86: {  	_ =	shalt  }
0x87: {  	_ =	shalt  }
.Lfunc_end0:
.L_simem_size_0:
called_computation_lowered:
.L_overlay_start_0:
0x88: {  	s2 =	sld [smem:$0x3FD9]  }
0x89: {  	s3 =	sld [smem:$0x3FFE];
	_ =	sdelay $0x1  }
0x8a: {  	s1 =	srdreg.scid  }
0x8b: {  	s0 =	sand.u32 $0x1, s1  }
0x8c: {  	s17 =	sshll.u32 s0, $0xA;
	s2 =	sadd.s32 s3, s2  }
0x8d: {  	s2 =	sadd.s32 s2, s17  }
0x8e: {  	[smem:$0x3FB0] =	sst s2  }
0x8f: {  	_ = 	snop  }
0x90: {  	s2 =	sld [smem:$0x3FD0];
	(tm) =	ssettm $0x1  }
0x91: {  	s18 =	sld [smem:$0x3FFB];
	_ =	sdelay $0x3  }
0x92: {  	_ =	strace s18  }
0x93: {  	s3 =	sld [smem:$0x3FFC];
	_ =	sdelay $0x3  }
0x94: {  	_ =	strace s3  }
0x95: {  	s3 =	sld [smem:$0x3FFD];
	_ =	sdelay $0x3  }
0x96: {  	_ =	strace s3  }
0x97: {  	_ =	strace $0x8FFFFFFF  }
0x98: {  	s19 =	sld [smem:$0x3FDB];
	_ =	sdelay $0x1  }
0x99: {  	s4 =	simm.s32 $_scs_section_size  }
0x9a: {  	s5 =	simm.s32 $_size__tile_overlayer_lowered;
	s6 =	simm.s32 $_tile_overlayer_lowered  }
0x9b: {  	s22 =	simm.s32 $0x1BFF;
	s21 =	sshll.u32 s6, $0x1;
	s3 =	sadd.s32 s4, s19  }
0x9c: {  	s7 =	simm.s32 $0x0;
	s20 =	sshll.u32 s5, $0x1;
	s5 =	sadd.s32 s21, s3  }
0x9d: {  	[timem:s7], [sflag:s22] =	dma.local [hbm:s5], s20  }
0x9e: {  	_ =	swait.ge [sflag:s22], s20  }
0x9f: {  	s4 =	ssub.s32 $0x0, s20;
	[sflag:s22] =	ssyncset.done $0x0  }
0xa0: {  	[sflag:s22] =	ssyncadd.s32 s4;
	_ =	sdelay $0x1  }
0xa1: {  	s23 =	simm.s32 $0x1B8B  }
0xa2: {  	_ =	swait.ge [sflag:s23], $0x1  }
0xa3: {  	[sflag:s23] =	ssyncset.done $0x0  }
0xa4: {  	s25 =	simm.s32 $0x1B8E;
	s24 =	sld [smem:$0x3FFE];
	[sflag:s23] =	ssyncadd.s32 $0xFFFFFFFF  }
0xa5: {  	s26 =	simm.s32 $execute0_lowered;
	[smem:$0x3FD2] =	sst s25  }
0xa6: {  	s5 =	sshll.u32 s26, $0x1;
	_ =	strace $0x80000046;
	[dreg:$0x1] =	wrdreg $0xFFFFFFFF  }
0xa7: {  	s28 =	simm.s32 $_size_execute0_lowered;
	s3 =	sadd.s32 s3, s5;
	[dreg:$0x0] =	wrdreg $0x0  }
0xa8: {  	s5 =	sshll.u32 s28, $0x1;
	[dreg:$0x2] =	wrdreg s3  }
0xa9: {  	[dreg:$0x3] =	wrdreg s5  }
0xaa: {  	[dreg:$0x4] =	wrdreg $0xC0  }
0xab: {  	_ =	task [dreg:s7], $0x5FFFF  }
0xac: {  	[dreg:$0x1] =	wrdreg $0xFFFFFFFF  }
0xad: {  	[dreg:$0x0] =	wrdreg $0x60  }
0xae: {  	[dreg:$0x2] =	wrdreg s24  }
0xaf: {  	[dreg:$0x3] =	wrdreg s2  }
0xb0: {  	[dreg:$0x4] =	wrdreg $0x2C000  }
0xb1: {  	[dreg:$0x5] =	wrdreg $0x9  }
0xb2: {  	_ =	task.clear_ibuf [dreg:s7], $0x6FFFF;
	_ =	strace $0x90000046  }
0xb3: {  	s29 =	simm.s32 $0x9;
	_ =	strace $0x80000048  }
0xb4: {  	_ =	swait.ge [sflag:s29], $0x1  }
0xb5: {  	[sflag:s29] =	ssyncadd.s32 $0xFFFFFFFF  }
0xb6: {  	_ =	strace $0x90000048  }
0xb7: {  	_ =	sfence  }
0xb8: {  	s30 =	sld [smem:$0x0];
	_ =	sdelay $0x2  }
0xb9: {  	s31 =	sshll.u32 s1, $0xD;
	s1 =	sshrl.u32 s1, $0x2  }
0xba: {  	s3 =	sand.u32 $0x4000, s31;
	s1 =	sadd.s32 s1, s30  }
0xbb: {  	s0 =	sor.u32 s3, s0;
	s1 =	sshll.u32 s1, $0x11  }
0xbc: {  	s0 =	sor.u32 s1, s0  }
0xbd: {  	s0 =	sadd.s32 $0x8F2B, s0  }
0xbe: {  	[sflag:s0] =	ssyncadd.remote.s32 $0x1  }
0xbf: {  	_ =	sfence.sel $0xFFFF  }
0xc0: {  	[dreg:$0x0] =	wrdreg $0xFFFFFFFF;
	(pc) =	sbr.abs _section_cstart, $3  }
0xc1: {  	[dreg:$0x1] =	wrdreg $0xFFFFFFFF  }
0xc2: {  	_ =	task.clear_ibuf [dreg:s7], $0x2FFFF;
	_ =	strace $0x9FFFFFFF  }
0xc3: {  	(tm) =	ssettm $0x7FFFFFFF  }
tec
execute0_lowered:
.L_overlay_start_1:
0x0: {  	(tag) =	ssettag $0x1  }
0x1: {  	s7 =	rddreg [dreg:$0x0]  }
0x2: {  	s6 =	rddreg [dreg:$0x1];
	s1 =	srdreg.scid  }
0x3: {  	s0 =	stileid.u32;
	s2 =	rddreg [dreg:$0x2];
	s3 =	simm.s32 $0x0  }
0x4: {  	s13 =	simm.s32 $0x80;
	s5 =	sand.u32 $0x1, s1;
	s1 =	rddreg [dreg:$0x3]  }
0x5: {  	s14 =	simm.s32 $0x0;
	s4 =	sshll.u32 s0, $0x1;
	[smem:$0x7FF] =	sst s3  }
0x6: {  	s11 =	smul.u32 $0x13C0, s0;
	s31 =	sshll.u32 s0, $0x6;
	s4 =	sor.u32 s5, s4  }
0x7: {  	_ =	strace $0x80000047;
	s9 =	ssub.s32 $0x2, s5;
	p0 =	seq.s32 s5, $0x1  }
0x8: {  	s8 =	smul.u32 $0x500, s4;
	s4 =	sadd.s32 $0x10A00, s7;
	s10 =	sshrl.u32 s9, $0x1  }
0x9: {  	s30 =	sshrl.u32 s11, $0x3;
	s12 =	sadd.s32 s11, s2;
	s11 =	sor.u32 $0x1C01, s31  }
0xa: {  	s9 =	ssub.s32 s9, s10;
	s10 =	simm.s32 $0x10C00;
	s6 =	sadd.s32 s6, s30  }
0xb: {  	s12 =	sshrl.u32 s12, $0x3;
	s8 =	sadd.s32 s8, s7;
	s10 =	simm.s32 @!p0 $0x13400  }
0xc: {  	s5 =	sadd.s32 $0x6A00, s8;
	s10 =	sadd.s32 s10, s7;
	s7 =	smax.u32 s9, $0x1  }
0xd: {  	s9 =	simm.s32 $0x1;
	s8 =	sadd.s32 s10, s30;
	s10 =	simm.s32 $0x2800  }
.LBB2_1:
0xe: {  	[tilespmem:s3], [sflag:$0x1] =	stream.linear.gather [hbm4b:s5+s3], $0x2800, $0x38;
	[tilespmem:$0x3FC0] =	vst v63  }
0xf: {  	_ =	swait.ge [sflag:s9], $0x2800  }
0x10: {  	[sflag:s9] =	ssyncset.done $0x0  }
0x11: {  	[sflag:s9] =	ssyncadd.s32 $0xFFFFD800  }
0x12: {  	[tilespmem:s10], [sflag:$0x1] =	stream.linear.gather [hbm4b:s4+s3], $0x400, $0x38;
	[tilespmem:$0x3FC0] =	vst v63  }
0x13: {  	_ =	swait.ge [sflag:s9], $0x400  }
0x14: {  	[sflag:s9] =	ssyncset.done $0x0  }
0x15: {  	[sflag:s9] =	ssyncadd.s32 $0xFFFFFC00  }
0x16: {  	[spmem:s12], [sflag:s11] =	dma.local [hbm:s6], $0x278  }
0x17: {  	_ =	swait.ge [sflag:s9], $0x278  }
0x18: {  	[sflag:s9] =	ssyncset.done $0x0  }
0x19: {  	[sflag:s9] =	ssyncadd.s32 $0xFFFFFD88  }
0x1a: {  	s15 =	simm.s32 $0x0;
	[bflag:$0x0] =	sbarrier.arrive $0xFFFF  }
0x1b: {  	[spmem:s2] =	stream.indirect.scatter.add.f32 [tilespmem:s10], [sflag:$0x1], $0x8, s15, s13, $0xb8;
	[tilespmem:$0x3FC0] =	vst v63  }
0x1c: {  	_ =	swait.ge [sflag:s9], $0x400  }
0x1d: {  	s15 =	simm.s32 $0x200;
	[sflag:s9] =	ssyncset.done $0x0  }
.LBB2_2:
0x1e: {  	s16 =	sshra.s32 s15, $0x2;
	[sflag:s9] =	ssyncadd.s32 $0xFFFFFC00;
	p0 =	sne.s32 s15, $0x9E00  }
0x1f: {  	[spmem:s2] =	stream.indirect.scatter.add.f32 [tilespmem:s10], [sflag:$0x1], $0x8, s16, s13, $0xb8;
	[tilespmem:$0x3FC0] =	vst v63  }
.Ltmp0:
0x20: {  	_ = 	snop;
	(pc) =	sbr.rel @p0 .LBB2_2-.Ltmp0, $4  }
0x21: {  	_ = 	snop  }
0x22: {  	s15 =	sadd.s32 $0x200, s15  }
0x23: {  	_ =	swait.ge [sflag:s9], $0x400  }
0x24: {  	[sflag:s9] =	ssyncset.done $0x0  }
0x25: {  	s14 =	sadd.s32 $0x1, s14  }
0x26: {  	[sflag:s9] =	ssyncadd.s32 $0xFFFFFC00;
	p0 =	sne.s32 s14, s7  }
.Ltmp1:
0x27: {  	[bflag:$0x0] =	sbarrier.arrive $0xFFFF;
	(pc) =	sbr.rel @p0 .LBB2_1-.Ltmp1, $4  }
0x28: {  	[hbm:s8], [sflag:s11] =	dma.local [spmem:s12], $0x278  }
0x29: {  	_ =	swait.ge [sflag:s9], $0x278  }
0x2a: {  	[sflag:s9] =	ssyncset.done $0x0  }
0x2b: {  	[sflag:s9] =	ssyncadd.s32 $0xFFFFFD88  }
0x2c: {  	_ =	sfence.sel $0x180000  }
0x2d: {  	[bflag:$0x0] =	sbarrier.arrive $0xFFFF  }
0x2e: {  	p0 =	sne.s32 s0, $0x0;
	_ =	strace $0x90000047  }
0x2f: {  	s0 =	sadd.s32 @!p0 $0x100000, s1;
	[bflag:$0x2] =	sbarrier.arrive $0xFFFF  }
0x30: {  	[sflag:s0] =	ssyncadd.tile.s32 @!p0 $0x1;
	_ =	shalt  }
.Lfunc_end2:
_tile_overlayer_lowered:
.L_overlay_start_2:
0x31: {  	(tag) =	ssettag $0x2  }
0x32: {  	s0 =	rddreg [dreg:$0x0];
	s2 =	stileid.u32  }
0x33: {  	s1 =	rddreg [dreg:$0x1];
	p0 =	sne.s32 s2, $0x0  }
0x34: {  	s3 =	rddreg [dreg:$0x2];
	[bflag:$0x3] =	sbarrier.arrive $0xFFFF;
	s2 =	simm.s32 @!p0 $0x1C01  }
0x35: {  	[timem:s3], [sflag:s2] =	dma.local @!p0 [hbm:s0], s1  }
0x36: {  	s0 =	simm.s32 @!p0 $0x1  }
0x37: {  	_ =	swait.ge @!p0 [sflag:s0], s1  }
0x38: {  	s1 =	ssub.s32 @!p0 $0x0, s1;
	[sflag:s0] =	ssyncset.done @!p0 $0x0  }
0x39: {  	[sflag:s0] =	ssyncadd.s32 @!p0 s1  }
0x3a: {  	[bflag:$0x3] =	sbarrier.arrive $0xFFFF  }
0x3b: {  	_ =	shalt  }

// kernel: kernel.15.cloned.1.call-start
scs
__scs_entry_jumppad:
0x0: {  	(pc) =	sbr.rel $0x88, $3  }
0x1: {  	(tag) =	ssettag $0x0;
	lr =	simm.s32 $0x1  }
0x2: {  	[smem:$0x3F89] =	sst lr;
	_ =	strace $0xD0000000  }
0x3: {  	_ = 	snop  }
0x4: {  	_ = 	snop  }
0x5: {  	_ = 	snop  }
0x6: {  	_ = 	snop  }
0x7: {  	_ = 	snop  }
__scs_overlays_trampoline_lowered:
0x8: {  	[smem:$0x3F98] =	sst s0  }
0x9: {  	[smem:$0x3F99] =	sst s1  }
0xa: {  	[smem:$0x3F9A] =	sst s2  }
0xb: {  	[smem:$0x3F9B] =	sst s3  }
0xc: {  	[smem:$0x3F9C] =	sst s4  }
0xd: {  	[smem:$0x3F9D] =	sst s5  }
0xe: {  	[smem:$0x3F9E] =	sst s6  }
0xf: {  	[smem:$0x3F9F] =	sst s7  }
0x10: {  	[smem:$0x3FA0] =	sst s8  }
0x11: {  	[smem:$0x3FA1] =	sst s9;
	s0 =	simm.s32 @!p0 $0x0  }
0x12: {  	s1 =	sld [smem:$0x3F87];
	s0 =	simm.s32 @p0 $0x1  }
0x13: {  	[smem:$0x3FA2] =	sst s0;
	s0 =	simm.s32 @!p1 $0x0  }
0x14: {  	s2 =	sld [smem:$0x3F86];
	s0 =	simm.s32 @p1 $0x1  }
0x15: {  	[smem:$0x3FA3] =	sst s0;
	s0 =	simm.s32 @!p2 $0x0  }
0x16: {  	s3 =	sld [smem:$0x3FDB];
	s0 =	simm.s32 @p2 $0x1  }
0x17: {  	s4 =	simm.s32 $0x1BF5;
	[smem:$0x3FA5] =	sst s0  }
0x18: {  	s0 =	sld [smem:$0x3F88];
	_ =	swait.ge [sflag:s4], $0x0  }
0x19: {  	s7 =	sld [smem:$0x3F89]  }
0x1a: {  	s8 =	sadd.s32 $0xFFFFE003, lr  }
0x1b: {  	s9 =	sadd.s32 $0xFFFFFEF7, lr;
	s5 =	simm.s32 $0xFFFFFFFF;
	p2 =	slt.u32 s8, $0xFFFFF086  }
0x1c: {  	p1 =	slt.u32 s9, $0xF7A;
	s5 =	simm.s32 @!p2 $0x0  }
0x1d: {  	s5 =	simm.s32 @p1 $0x1;
	p0 =	seq.s32 s7, s2  }
0x1e: {  	s7 =	smul.u32 @!p0 $0xF7A, s2;
	p2 =	seq.s32 @!p0 s5, $0x0  }
0x1f: {  	s9 =	smul.u32 $0xF7A, s1;
	s8 =	simm.s32 @!p0 $0x1BF5;
	p2 =	por !p2, p0  }
0x20: {  	[sflag:s8] =	ssyncset.s32 @!p0 $0xFFFFF086;
	s6 =	sadd.s32 @!p0 s3, s7;
	s7 =	simm.s32 @!p0 $0x108  }
0x21: {  	s3 =	sadd.s32 s3, s9;
	s6 =	sadd.s32 @!p0 $0x88, s6;
	s7 =	simm.s32 @p2 $0x1082  }
0x22: {  	[simem:s7], [sflag:s8] =	dma.local @!p0 [hbm:s6], $0xF7A  }
0x23: {  	s9 =	sor.u32 $0xD0000000, s2;
	s6 =	simm.s32 $0x108;
	_ =	swait.ge @!p0 [sflag:s8], $0x0  }
0x24: {  	s3 =	sadd.s32 $0x88, s3;
	s6 =	simm.s32 @!p1 $0x1082;
	[sflag:s4] =	ssyncset.s32 $0xFFFFF086  }
0x25: {  	[simem:s6], [sflag:s4] =	dma.local [hbm:s3], $0xF7A  }
0x26: {  	[smem:$0x3F89] =	sst s1;
	(tag) =	ssettag s2;
	_ =	strace s9  }
0x27: {  	s1 =	sld [smem:$0x3F99]  }
0x28: {  	s2 =	sld [smem:$0x3F9A]  }
0x29: {  	s4 =	sld [smem:$0x3F9C]  }
0x2a: {  	p0 =	seq.s32 s5, $0x0;
	s5 =	sld [smem:$0x3F9D]  }
0x2b: {  	s6 =	sld [smem:$0x3F9E]  }
0x2c: {  	s7 =	sld [smem:$0x3F9F]  }
0x2d: {  	s3 =	simm.s32 $0x108;
	s8 =	sld [smem:$0x3FA0]  }
0x2e: {  	s3 =	simm.s32 @!p0 $0x1082;
	s9 =	sld [smem:$0x3FA1]  }
0x2f: {  	lr =	sadd.s32 s0, s3;
	s0 =	sld [smem:$0x3F98]  }
0x30: {  	s3 =	sld [smem:$0x3F9B]  }
0x31: {  	[smem:$0x3FA4] =	sst s10  }
0x32: {  	s10 =	sld [smem:$0x3FA2];
	_ =	sdelay $0x3  }
0x33: {  	p0 =	seq.s32 s10, $0x1;
	s10 =	sld [smem:$0x3FA4];
	_ =	sdelay $0x3  }
0x34: {  	[smem:$0x3FA4] =	sst s10  }
0x35: {  	s10 =	sld [smem:$0x3FA3];
	_ =	sdelay $0x3  }
0x36: {  	p1 =	seq.s32 s10, $0x1;
	s10 =	sld [smem:$0x3FA4];
	_ =	sdelay $0x3  }
0x37: {  	[smem:$0x3FA4] =	sst s10  }
0x38: {  	s10 =	sld [smem:$0x3FA5]  }
0x39: {  	_ = 	snop;
	(pc) =	sbr.ind lr, $3  }
0x3a: {  	_ = 	snop  }
0x3b: {  	_ = 	snop  }
0x3c: {  	p2 =	seq.s32 s10, $0x1;
	s10 =	sld [smem:$0x3FA4]  }
0x3d: {  	_ =	shalt  }
0x3e: {  	_ =	shalt  }
0x3f: {  	_ =	shalt  }
0x40: {  	_ =	shalt  }
0x41: {  	_ =	shalt  }
0x42: {  	_ =	shalt  }
0x43: {  	_ =	shalt  }
0x44: {  	_ =	shalt  }
0x45: {  	_ =	shalt  }
0x46: {  	_ =	shalt  }
0x47: {  	_ =	shalt  }
0x48: {  	_ =	shalt  }
0x49: {  	_ =	shalt  }
0x4a: {  	_ =	shalt  }
0x4b: {  	_ =	shalt  }
0x4c: {  	_ =	shalt  }
0x4d: {  	_ =	shalt  }
0x4e: {  	_ =	shalt  }
0x4f: {  	_ =	shalt  }
0x50: {  	_ =	shalt  }
0x51: {  	_ =	shalt  }
0x52: {  	_ =	shalt  }
0x53: {  	_ =	shalt  }
0x54: {  	_ =	shalt  }
0x55: {  	_ =	shalt  }
0x56: {  	_ =	shalt  }
0x57: {  	_ =	shalt  }
0x58: {  	_ =	shalt  }
0x59: {  	_ =	shalt  }
0x5a: {  	_ =	shalt  }
0x5b: {  	_ =	shalt  }
0x5c: {  	_ =	shalt  }
0x5d: {  	_ =	shalt  }
0x5e: {  	_ =	shalt  }
0x5f: {  	_ =	shalt  }
0x60: {  	_ =	shalt  }
0x61: {  	_ =	shalt  }
0x62: {  	_ =	shalt  }
0x63: {  	_ =	shalt  }
0x64: {  	_ =	shalt  }
0x65: {  	_ =	shalt  }
0x66: {  	_ =	shalt  }
0x67: {  	_ =	shalt  }
0x68: {  	_ =	shalt  }
0x69: {  	_ =	shalt  }
0x6a: {  	_ =	shalt  }
0x6b: {  	_ =	shalt  }
0x6c: {  	_ =	shalt  }
0x6d: {  	_ =	shalt  }
0x6e: {  	_ =	shalt  }
0x6f: {  	_ =	shalt  }
0x70: {  	_ =	shalt  }
0x71: {  	_ =	shalt  }
0x72: {  	_ =	shalt  }
0x73: {  	_ =	shalt  }
0x74: {  	_ =	shalt  }
0x75: {  	_ =	shalt  }
0x76: {  	_ =	shalt  }
0x77: {  	_ =	shalt  }
0x78: {  	_ =	shalt  }
0x79: {  	_ =	shalt  }
0x7a: {  	_ =	shalt  }
0x7b: {  	_ =	shalt  }
0x7c: {  	_ =	shalt  }
0x7d: {  	_ =	shalt  }
0x7e: {  	_ =	shalt  }
0x7f: {  	_ =	shalt  }
0x80: {  	_ =	shalt  }
0x81: {  	_ =	shalt  }
0x82: {  	_ =	shalt  }
0x83: {  	_ =	shalt  }
0x84: {  	_ =	shalt  }
0x85: {  	_ =	shalt  }
0x86: {  	_ =	shalt  }
0x87: {  	_ =	shalt  }
.Lfunc_end0:
.L_simem_size_0:
called_computation.1_lowered:
.L_overlay_start_0:
0x88: {  	s2 =	sld [smem:$0x3FD9]  }
0x89: {  	s3 =	sld [smem:$0x3FFE];
	_ =	sdelay $0x1  }
0x8a: {  	s1 =	srdreg.scid  }
0x8b: {  	s0 =	sand.u32 $0x1, s1  }
0x8c: {  	s17 =	sshll.u32 s0, $0xA;
	s2 =	sadd.s32 s3, s2  }
0x8d: {  	s2 =	sadd.s32 s2, s17  }
0x8e: {  	[smem:$0x3FB0] =	sst s2  }
0x8f: {  	_ = 	snop  }
0x90: {  	s2 =	sld [smem:$0x3FD0];
	(tm) =	ssettm $0x1  }
0x91: {  	s18 =	sld [smem:$0x3FFB];
	_ =	sdelay $0x3  }
0x92: {  	_ =	strace s18  }
0x93: {  	s3 =	sld [smem:$0x3FFC];
	_ =	sdelay $0x3  }
0x94: {  	_ =	strace s3  }
0x95: {  	s3 =	sld [smem:$0x3FFD];
	_ =	sdelay $0x3  }
0x96: {  	_ =	strace s3  }
0x97: {  	_ =	strace $0x8FFFFFFF  }
0x98: {  	s19 =	sld [smem:$0x3FDB];
	_ =	sdelay $0x1  }
0x99: {  	s4 =	simm.s32 $_scs_section_size  }
0x9a: {  	s5 =	simm.s32 $_size__tile_overlayer_lowered;
	s6 =	simm.s32 $_tile_overlayer_lowered  }
0x9b: {  	s22 =	simm.s32 $0x1BFF;
	s21 =	sshll.u32 s6, $0x1;
	s3 =	sadd.s32 s4, s19  }
0x9c: {  	s7 =	simm.s32 $0x0;
	s20 =	sshll.u32 s5, $0x1;
	s5 =	sadd.s32 s21, s3  }
0x9d: {  	[timem:s7], [sflag:s22] =	dma.local [hbm:s5], s20  }
0x9e: {  	_ =	swait.ge [sflag:s22], s20  }
0x9f: {  	s4 =	ssub.s32 $0x0, s20;
	[sflag:s22] =	ssyncset.done $0x0  }
0xa0: {  	[sflag:s22] =	ssyncadd.s32 s4;
	_ =	sdelay $0x1  }
0xa1: {  	s23 =	simm.s32 $0x1B8B  }
0xa2: {  	_ =	swait.ge [sflag:s23], $0x1  }
0xa3: {  	[sflag:s23] =	ssyncset.done $0x0  }
0xa4: {  	s25 =	simm.s32 $0x1B8E;
	s24 =	sld [smem:$0x3FFE];
	[sflag:s23] =	ssyncadd.s32 $0xFFFFFFFF  }
0xa5: {  	s26 =	simm.s32 $execute0_lowered;
	[smem:$0x3FD2] =	sst s25  }
0xa6: {  	s5 =	sshll.u32 s26, $0x1;
	_ =	strace $0x80000049;
	[dreg:$0x1] =	wrdreg $0xFFFFFFFF  }
0xa7: {  	s28 =	simm.s32 $_size_execute0_lowered;
	s3 =	sadd.s32 s3, s5;
	[dreg:$0x0] =	wrdreg $0x0  }
0xa8: {  	s5 =	sshll.u32 s28, $0x1;
	[dreg:$0x2] =	wrdreg s3  }
0xa9: {  	[dreg:$0x3] =	wrdreg s5  }
0xaa: {  	[dreg:$0x4] =	wrdreg $0xC0  }
0xab: {  	_ =	task [dreg:s7], $0x5FFFF  }
0xac: {  	[dreg:$0x1] =	wrdreg $0xFFFFFFFF  }
0xad: {  	[dreg:$0x0] =	wrdreg $0x60  }
0xae: {  	[dreg:$0x2] =	wrdreg s2  }
0xaf: {  	[dreg:$0x3] =	wrdreg s24  }
0xb0: {  	[dreg:$0x4] =	wrdreg $0x90000  }
0xb1: {  	[dreg:$0x5] =	wrdreg $0x9  }
0xb2: {  	_ =	task.clear_ibuf [dreg:s7], $0x6FFFF;
	_ =	strace $0x90000049  }
0xb3: {  	s29 =	simm.s32 $0x9;
	_ =	strace $0x8000004B  }
0xb4: {  	_ =	swait.ge [sflag:s29], $0x1  }
0xb5: {  	[sflag:s29] =	ssyncadd.s32 $0xFFFFFFFF  }
0xb6: {  	_ =	strace $0x9000004B  }
0xb7: {  	_ =	sfence  }
0xb8: {  	s30 =	sld [smem:$0x0];
	_ =	sdelay $0x2  }
0xb9: {  	s31 =	sshll.u32 s1, $0xD;
	s1 =	sshrl.u32 s1, $0x2  }
0xba: {  	s3 =	sand.u32 $0x4000, s31;
	s1 =	sadd.s32 s1, s30  }
0xbb: {  	s0 =	sor.u32 s3, s0;
	s1 =	sshll.u32 s1, $0x11  }
0xbc: {  	s0 =	sor.u32 s1, s0  }
0xbd: {  	s0 =	sadd.s32 $0x8F2B, s0  }
0xbe: {  	[sflag:s0] =	ssyncadd.remote.s32 $0x1  }
0xbf: {  	_ =	sfence.sel $0xFFFF  }
0xc0: {  	[dreg:$0x0] =	wrdreg $0xFFFFFFFF;
	(pc) =	sbr.abs _section_cstart, $3  }
0xc1: {  	[dreg:$0x1] =	wrdreg $0xFFFFFFFF  }
0xc2: {  	_ =	task.clear_ibuf [dreg:s7], $0x2FFFF;
	_ =	strace $0x9FFFFFFF  }
0xc3: {  	(tm) =	ssettm $0x7FFFFFFF  }
tec
execute0_lowered:
.L_overlay_start_1:
0x0: {  	(tag) =	ssettag $0x1  }
0x1: {  	s2 =	rddreg [dreg:$0x0]  }
0x2: {  	s5 =	rddreg [dreg:$0x1]  }
0x3: {  	s3 =	rddreg [dreg:$0x2];
	s4 =	srdreg.scid  }
0x4: {  	s1 =	stileid.u32;
	s0 =	rddreg [dreg:$0x3];
	s11 =	simm.s32 $0x5B000  }
0x5: {  	s14 =	simm.s32 $0x80;
	s15 =	simm.s32 $0x5000;
	s16 =	simm.s32 $0x1  }
0x6: {  	s17 =	simm.s32 $0x7000;
	s18 =	simm.s32 $0x2;
	s19 =	simm.s32 $0x2780  }
0x7: {  	s20 =	simm.s32 $0x4F00;
	s21 =	simm.s32 $0x4F80;
	s22 =	simm.s32 $0x0  }
0x8: {  	s7 =	sand.u32 $0x1, s4;
	s6 =	sshll.u32 s1, $0x1;
	s4 =	simm.s32 $0x0  }
0x9: {  	s8 =	smul.u32 $0x9E00, s1;
	s12 =	sshll.u32 s1, $0x6;
	s6 =	sor.u32 s7, s6  }
0xa: {  	[smem:$0x7FF] =	sst s4;
	s10 =	ssub.s32 $0x2, s7;
	p0 =	seq.s32 s7, $0x1  }
0xb: {  	s12 =	sor.u32 $0x1C03, s12;
	s6 =	smul.u32 $0x500, s6;
	_ =	strace $0x8000004A  }
0xc: {  	s9 =	sshrl.u32 s8, $0x3;
	s31 =	sshrl.u32 s10, $0x1;
	s13 =	sadd.s32 s8, s3  }
0xd: {  	s11 =	simm.s32 @!p0 $0x6EC00;
	s9 =	sadd.s32 s9, s5;
	s10 =	ssub.s32 s10, s31  }
0xe: {  	s13 =	sshrl.u32 s13, $0x3;
	s6 =	sadd.s32 s6, s5;
	s7 =	sadd.s32 $0x47400, s9  }
0xf: {  	s8 =	smax.u32 s10, $0x1;
	s9 =	sadd.s32 s11, s9;
	s10 =	simm.s32 $0x3  }
0x10: {  	s11 =	simm.s32 $0x2800;
	s5 =	sadd.s32 $0x15C00, s6;
	s6 =	sadd.s32 $0x6A00, s6  }
.LBB2_1:
0x11: {  	[tilespmem:s4], [sflag:$0x3] =	stream.linear.gather [hbm4b:s5+s4], $0x2800, $0x38;
	[tilespmem:$0x12E00] =	vst v63  }
0x12: {  	_ =	swait.ge [sflag:s10], $0x2800  }
0x13: {  	[sflag:s10] =	ssyncset.done $0x0  }
0x14: {  	[sflag:s10] =	ssyncadd.s32 $0xFFFFD800  }
0x15: {  	[tilespmem:s11], [sflag:$0x3] =	stream.linear.gather [hbm4b:s6+s4], $0x2800, $0x38;
	[tilespmem:$0x12E00] =	vst v63  }
0x16: {  	_ =	swait.ge [sflag:s10], $0x2800  }
0x17: {  	[sflag:s10] =	ssyncset.done $0x0  }
0x18: {  	[sflag:s10] =	ssyncadd.s32 $0xFFFFD800  }
0x19: {  	[spmem:s13], [sflag:s12] =	dma.local [hbm:s7], $0x13C0  }
0x1a: {  	_ =	swait.ge [sflag:s10], $0x13C0  }
0x1b: {  	[sflag:s10] =	ssyncset.done $0x0  }
0x1c: {  	[sflag:s10] =	ssyncadd.s32 $0xFFFFEC40  }
0x1d: {  	[bflag:$0x0] =	sbarrier.arrive $0xFFFF  }
0x1e: {  	[tilespmem:s15], [sflag:$0x1] =	stream.indirect.gather [hbm4b:s2+s14], $0x40, s4, s14, $0xb8;
	[tilespmem:$0x12E00] =	vst v63  }
0x1f: {  	_ =	swait.ge [sflag:s16], $0x2000  }
0x20: {  	[sflag:s16] =	ssyncset.done $0x0  }
0x21: {  	s23 =	simm.s32 $0x80;
	[sflag:s16] =	ssyncadd.s32 $0xFFFFE000  }
0x22: {  	[tilespmem:s17], [sflag:$0x2] =	stream.indirect.gather [hbm4b:s2+s14], $0x40, s23, s14, $0xb8;
	[tilespmem:$0x12E00] =	vst v63  }
0x23: {  	s29 =	simm.s32 $0x2800  }
0x24: {  	[spmem:s3] =	stream.indirect.scatter.add.f32 [tilespmem:s15], [sflag:$0x3], $0x40, s29, s14, $0xb8;
	[tilespmem:$0x12E00] =	vst v63  }
0x25: {  	_ =	swait.ge [sflag:s10], $0x2000  }
0x26: {  	[sflag:s10] =	ssyncset.done $0x0  }
0x27: {  	[sflag:s10] =	ssyncadd.s32 $0xFFFFE000  }
0x28: {  	_ =	swait.ge [sflag:s18], $0x2000  }
0x29: {  	[sflag:s18] =	ssyncset.done $0x0  }
0x2a: {  	s30 =	simm.s32 $0x100;
	[sflag:s18] =	ssyncadd.s32 $0xFFFFE000  }
0x2b: {  	[tilespmem:s15], [sflag:$0x1] =	stream.indirect.gather [hbm4b:s2+s14], $0x40, s30, s14, $0xb8;
	[tilespmem:$0x12E00] =	vst v63  }
0x2c: {  	s31 =	simm.s32 $0x2880  }
0x2d: {  	[spmem:s3] =	stream.indirect.scatter.add.f32 [tilespmem:s17], [sflag:$0x3], $0x40, s31, s14, $0xb8;
	[tilespmem:$0x12E00] =	vst v63  }
0x2e: {  	_ =	swait.ge [sflag:s10], $0x2000  }
0x2f: {  	s23 =	simm.s32 $0x400;
	[sflag:s10] =	ssyncset.done $0x0  }
.LBB2_2:
0x30: {  	p0 =	sne.s32 s23, $0x9800  }
0x31: {  	[sflag:s10] =	ssyncadd.s32 $0xFFFFE000;
	s24 =	smov.u32 s23;
	s23 =	sadd.s32 $0x400, s23  }
0x32: {  	_ = 	snop  }
0x33: {  	_ =	swait.ge [sflag:s16], $0x2000  }
0x34: {  	s24 =	sshra.s32 s24, $0x2;
	[sflag:s16] =	ssyncset.done $0x0  }
0x35: {  	s25 =	sadd.s32 $0x80, s24;
	[sflag:s16] =	ssyncadd.s32 $0xFFFFE000  }
0x36: {  	[tilespmem:s17], [sflag:$0x2] =	stream.indirect.gather [hbm4b:s2+s14], $0x40, s25, s14, $0xb8;
	[tilespmem:$0x12E00] =	vst v63  }
0x37: {  	s25 =	sadd.s32 $0x2800, s24  }
0x38: {  	[spmem:s3] =	stream.indirect.scatter.add.f32 [tilespmem:s15], [sflag:$0x3], $0x40, s25, s14, $0xb8;
	[tilespmem:$0x12E00] =	vst v63  }
0x39: {  	_ =	swait.ge [sflag:s10], $0x2000  }
0x3a: {  	[sflag:s10] =	ssyncset.done $0x0  }
0x3b: {  	[sflag:s10] =	ssyncadd.s32 $0xFFFFE000  }
0x3c: {  	_ =	swait.ge [sflag:s18], $0x2000  }
0x3d: {  	[sflag:s18] =	ssyncset.done $0x0  }
0x3e: {  	s25 =	sadd.s32 $0x100, s24;
	[sflag:s18] =	ssyncadd.s32 $0xFFFFE000  }
0x3f: {  	[tilespmem:s15], [sflag:$0x1] =	stream.indirect.gather [hbm4b:s2+s14], $0x40, s25, s14, $0xb8;
	[tilespmem:$0x12E00] =	vst v63  }
.Ltmp0:
0x40: {  	_ = 	snop;
	(pc) =	sbr.rel @p0 .LBB2_2-.Ltmp0, $4  }
0x41: {  	s24 =	sadd.s32 $0x2880, s24  }
0x42: {  	[spmem:s3] =	stream.indirect.scatter.add.f32 [tilespmem:s17], [sflag:$0x3], $0x40, s24, s14, $0xb8;
	[tilespmem:$0x12E00] =	vst v63  }
0x43: {  	_ =	swait.ge [sflag:s10], $0x2000  }
0x44: {  	[sflag:s10] =	ssyncset.done $0x0  }
0x45: {  	[sflag:s10] =	ssyncadd.s32 $0xFFFFE000  }
0x46: {  	_ =	swait.ge [sflag:s16], $0x2000  }
0x47: {  	[sflag:s16] =	ssyncset.done $0x0  }
0x48: {  	[sflag:s16] =	ssyncadd.s32 $0xFFFFE000  }
0x49: {  	[tilespmem:s17], [sflag:$0x2] =	stream.indirect.gather [hbm4b:s2+s14], $0x40, s19, s14, $0xb8;
	[tilespmem:$0x12E00] =	vst v63  }
0x4a: {  	_ = 	snop  }
0x4b: {  	[spmem:s3] =	stream.indirect.scatter.add.f32 [tilespmem:s15], [sflag:$0x3], $0x40, s20, s14, $0xb8;
	[tilespmem:$0x12E00] =	vst v63  }
0x4c: {  	_ =	swait.ge [sflag:s10], $0x2000  }
0x4d: {  	[sflag:s10] =	ssyncset.done $0x0  }
0x4e: {  	[sflag:s10] =	ssyncadd.s32 $0xFFFFE000  }
0x4f: {  	_ =	swait.ge [sflag:s18], $0x2000  }
0x50: {  	[sflag:s18] =	ssyncset.done $0x0  }
0x51: {  	[sflag:s18] =	ssyncadd.s32 $0xFFFFE000  }
0x52: {  	[spmem:s3] =	stream.indirect.scatter.add.f32 [tilespmem:s17], [sflag:$0x3], $0x40, s21, s14, $0xb8;
	[tilespmem:$0x12E00] =	vst v63  }
0x53: {  	_ =	swait.ge [sflag:s10], $0x2000  }
0x54: {  	s22 =	sadd.s32 $0x1, s22;
	[sflag:s10] =	ssyncset.done $0x0  }
0x55: {  	p0 =	sne.s32 s22, s8;
	[sflag:s10] =	ssyncadd.s32 $0xFFFFE000  }
.Ltmp1:
0x56: {  	[bflag:$0x0] =	sbarrier.arrive $0xFFFF;
	(pc) =	sbr.rel @p0 .LBB2_1-.Ltmp1, $4  }
0x57: {  	[hbm:s9], [sflag:s12] =	dma.local [spmem:s13], $0x13C0  }
0x58: {  	_ =	swait.ge [sflag:s10], $0x13C0  }
0x59: {  	[sflag:s10] =	ssyncset.done $0x0  }
0x5a: {  	[sflag:s10] =	ssyncadd.s32 $0xFFFFEC40  }
0x5b: {  	_ =	sfence.sel $0x180000  }
0x5c: {  	[bflag:$0x0] =	sbarrier.arrive $0xFFFF  }
0x5d: {  	p0 =	sne.s32 s1, $0x0;
	_ =	strace $0x9000004A  }
0x5e: {  	s0 =	sadd.s32 @!p0 $0x100000, s0;
	[bflag:$0x2] =	sbarrier.arrive $0xFFFF  }
0x5f: {  	[sflag:s0] =	ssyncadd.tile.s32 @!p0 $0x1;
	_ =	shalt  }
.Lfunc_end2:
_tile_overlayer_lowered:
.L_overlay_start_2:
0x60: {  	(tag) =	ssettag $0x2  }
0x61: {  	s0 =	rddreg [dreg:$0x0];
	s2 =	stileid.u32  }
0x62: {  	s1 =	rddreg [dreg:$0x1];
	p0 =	sne.s32 s2, $0x0  }
0x63: {  	s3 =	rddreg [dreg:$0x2];
	[bflag:$0x3] =	sbarrier.arrive $0xFFFF;
	s2 =	simm.s32 @!p0 $0x1C03  }
0x64: {  	[timem:s3], [sflag:s2] =	dma.local @!p0 [hbm:s0], s1  }
0x65: {  	s0 =	simm.s32 @!p0 $0x3  }
0x66: {  	_ =	swait.ge @!p0 [sflag:s0], s1  }
0x67: {  	s1 =	ssub.s32 @!p0 $0x0, s1;
	[sflag:s0] =	ssyncset.done @!p0 $0x0  }
0x68: {  	[sflag:s0] =	ssyncadd.s32 @!p0 s1  }
0x69: {  	[bflag:$0x3] =	sbarrier.arrive $0xFFFF  }
0x6a: {  	_ =	shalt  }

// kernel: kernel.18.cloned.1.call-start
scs
__scs_entry_jumppad:
0x0: {  	(pc) =	sbr.rel $0x88, $3  }
0x1: {  	(tag) =	ssettag $0x0;
	lr =	simm.s32 $0x1  }
0x2: {  	[smem:$0x3F89] =	sst lr;
	_ =	strace $0xD0000000  }
0x3: {  	_ = 	snop  }
0x4: {  	_ = 	snop  }
0x5: {  	_ = 	snop  }
0x6: {  	_ = 	snop  }
0x7: {  	_ = 	snop  }
__scs_overlays_trampoline_lowered:
0x8: {  	[smem:$0x3F98] =	sst s0  }
0x9: {  	[smem:$0x3F99] =	sst s1  }
0xa: {  	[smem:$0x3F9A] =	sst s2  }
0xb: {  	[smem:$0x3F9B] =	sst s3  }
0xc: {  	[smem:$0x3F9C] =	sst s4  }
0xd: {  	[smem:$0x3F9D] =	sst s5  }
0xe: {  	[smem:$0x3F9E] =	sst s6  }
0xf: {  	[smem:$0x3F9F] =	sst s7  }
0x10: {  	[smem:$0x3FA0] =	sst s8  }
0x11: {  	[smem:$0x3FA1] =	sst s9;
	s0 =	simm.s32 @!p0 $0x0  }
0x12: {  	s1 =	sld [smem:$0x3F87];
	s0 =	simm.s32 @p0 $0x1  }
0x13: {  	[smem:$0x3FA2] =	sst s0;
	s0 =	simm.s32 @!p1 $0x0  }
0x14: {  	s2 =	sld [smem:$0x3F86];
	s0 =	simm.s32 @p1 $0x1  }
0x15: {  	[smem:$0x3FA3] =	sst s0;
	s0 =	simm.s32 @!p2 $0x0  }
0x16: {  	s3 =	sld [smem:$0x3FDB];
	s0 =	simm.s32 @p2 $0x1  }
0x17: {  	s4 =	simm.s32 $0x1BF5;
	[smem:$0x3FA5] =	sst s0  }
0x18: {  	s0 =	sld [smem:$0x3F88];
	_ =	swait.ge [sflag:s4], $0x0  }
0x19: {  	s7 =	sld [smem:$0x3F89]  }
0x1a: {  	s8 =	sadd.s32 $0xFFFFE003, lr  }
0x1b: {  	s9 =	sadd.s32 $0xFFFFFEF7, lr;
	s5 =	simm.s32 $0xFFFFFFFF;
	p2 =	slt.u32 s8, $0xFFFFF086  }
0x1c: {  	p1 =	slt.u32 s9, $0xF7A;
	s5 =	simm.s32 @!p2 $0x0  }
0x1d: {  	s5 =	simm.s32 @p1 $0x1;
	p0 =	seq.s32 s7, s2  }
0x1e: {  	s7 =	smul.u32 @!p0 $0xF7A, s2;
	p2 =	seq.s32 @!p0 s5, $0x0  }
0x1f: {  	s9 =	smul.u32 $0xF7A, s1;
	s8 =	simm.s32 @!p0 $0x1BF5;
	p2 =	por !p2, p0  }
0x20: {  	[sflag:s8] =	ssyncset.s32 @!p0 $0xFFFFF086;
	s6 =	sadd.s32 @!p0 s3, s7;
	s7 =	simm.s32 @!p0 $0x108  }
0x21: {  	s3 =	sadd.s32 s3, s9;
	s6 =	sadd.s32 @!p0 $0x88, s6;
	s7 =	simm.s32 @p2 $0x1082  }
0x22: {  	[simem:s7], [sflag:s8] =	dma.local @!p0 [hbm:s6], $0xF7A  }
0x23: {  	s9 =	sor.u32 $0xD0000000, s2;
	s6 =	simm.s32 $0x108;
	_ =	swait.ge @!p0 [sflag:s8], $0x0  }
0x24: {  	s3 =	sadd.s32 $0x88, s3;
	s6 =	simm.s32 @!p1 $0x1082;
	[sflag:s4] =	ssyncset.s32 $0xFFFFF086  }
0x25: {  	[simem:s6], [sflag:s4] =	dma.local [hbm:s3], $0xF7A  }
0x26: {  	[smem:$0x3F89] =	sst s1;
	(tag) =	ssettag s2;
	_ =	strace s9  }
0x27: {  	s1 =	sld [smem:$0x3F99]  }
0x28: {  	s2 =	sld [smem:$0x3F9A]  }
0x29: {  	s4 =	sld [smem:$0x3F9C]  }
0x2a: {  	p0 =	seq.s32 s5, $0x0;
	s5 =	sld [smem:$0x3F9D]  }
0x2b: {  	s6 =	sld [smem:$0x3F9E]  }
0x2c: {  	s7 =	sld [smem:$0x3F9F]  }
0x2d: {  	s3 =	simm.s32 $0x108;
	s8 =	sld [smem:$0x3FA0]  }
0x2e: {  	s3 =	simm.s32 @!p0 $0x1082;
	s9 =	sld [smem:$0x3FA1]  }
0x2f: {  	lr =	sadd.s32 s0, s3;
	s0 =	sld [smem:$0x3F98]  }
0x30: {  	s3 =	sld [smem:$0x3F9B]  }
0x31: {  	[smem:$0x3FA4] =	sst s10  }
0x32: {  	s10 =	sld [smem:$0x3FA2];
	_ =	sdelay $0x3  }
0x33: {  	p0 =	seq.s32 s10, $0x1;
	s10 =	sld [smem:$0x3FA4];
	_ =	sdelay $0x3  }
0x34: {  	[smem:$0x3FA4] =	sst s10  }
0x35: {  	s10 =	sld [smem:$0x3FA3];
	_ =	sdelay $0x3  }
0x36: {  	p1 =	seq.s32 s10, $0x1;
	s10 =	sld [smem:$0x3FA4];
	_ =	sdelay $0x3  }
0x37: {  	[smem:$0x3FA4] =	sst s10  }
0x38: {  	s10 =	sld [smem:$0x3FA5]  }
0x39: {  	_ = 	snop;
	(pc) =	sbr.ind lr, $3  }
0x3a: {  	_ = 	snop  }
0x3b: {  	_ = 	snop  }
0x3c: {  	p2 =	seq.s32 s10, $0x1;
	s10 =	sld [smem:$0x3FA4]  }
0x3d: {  	_ =	shalt  }
0x3e: {  	_ =	shalt  }
0x3f: {  	_ =	shalt  }
0x40: {  	_ =	shalt  }
0x41: {  	_ =	shalt  }
0x42: {  	_ =	shalt  }
0x43: {  	_ =	shalt  }
0x44: {  	_ =	shalt  }
0x45: {  	_ =	shalt  }
0x46: {  	_ =	shalt  }
0x47: {  	_ =	shalt  }
0x48: {  	_ =	shalt  }
0x49: {  	_ =	shalt  }
0x4a: {  	_ =	shalt  }
0x4b: {  	_ =	shalt  }
0x4c: {  	_ =	shalt  }
0x4d: {  	_ =	shalt  }
0x4e: {  	_ =	shalt  }
0x4f: {  	_ =	shalt  }
0x50: {  	_ =	shalt  }
0x51: {  	_ =	shalt  }
0x52: {  	_ =	shalt  }
0x53: {  	_ =	shalt  }
0x54: {  	_ =	shalt  }
0x55: {  	_ =	shalt  }
0x56: {  	_ =	shalt  }
0x57: {  	_ =	shalt  }
0x58: {  	_ =	shalt  }
0x59: {  	_ =	shalt  }
0x5a: {  	_ =	shalt  }
0x5b: {  	_ =	shalt  }
0x5c: {  	_ =	shalt  }
0x5d: {  	_ =	shalt  }
0x5e: {  	_ =	shalt  }
0x5f: {  	_ =	shalt  }
0x60: {  	_ =	shalt  }
0x61: {  	_ =	shalt  }
0x62: {  	_ =	shalt  }
0x63: {  	_ =	shalt  }
0x64: {  	_ =	shalt  }
0x65: {  	_ =	shalt  }
0x66: {  	_ =	shalt  }
0x67: {  	_ =	shalt  }
0x68: {  	_ =	shalt  }
0x69: {  	_ =	shalt  }
0x6a: {  	_ =	shalt  }
0x6b: {  	_ =	shalt  }
0x6c: {  	_ =	shalt  }
0x6d: {  	_ =	shalt  }
0x6e: {  	_ =	shalt  }
0x6f: {  	_ =	shalt  }
0x70: {  	_ =	shalt  }
0x71: {  	_ =	shalt  }
0x72: {  	_ =	shalt  }
0x73: {  	_ =	shalt  }
0x74: {  	_ =	shalt  }
0x75: {  	_ =	shalt  }
0x76: {  	_ =	shalt  }
0x77: {  	_ =	shalt  }
0x78: {  	_ =	shalt  }
0x79: {  	_ =	shalt  }
0x7a: {  	_ =	shalt  }
0x7b: {  	_ =	shalt  }
0x7c: {  	_ =	shalt  }
0x7d: {  	_ =	shalt  }
0x7e: {  	_ =	shalt  }
0x7f: {  	_ =	shalt  }
0x80: {  	_ =	shalt  }
0x81: {  	_ =	shalt  }
0x82: {  	_ =	shalt  }
0x83: {  	_ =	shalt  }
0x84: {  	_ =	shalt  }
0x85: {  	_ =	shalt  }
0x86: {  	_ =	shalt  }
0x87: {  	_ =	shalt  }
.Lfunc_end0:
.L_simem_size_0:
called_computation.2_lowered:
.L_overlay_start_0:
0x88: {  	s2 =	sld [smem:$0x3FD9]  }
0x89: {  	s3 =	sld [smem:$0x3FFE];
	_ =	sdelay $0x1  }
0x8a: {  	s1 =	srdreg.scid  }
0x8b: {  	s0 =	sand.u32 $0x1, s1  }
0x8c: {  	s16 =	sshll.u32 s0, $0xA;
	s2 =	sadd.s32 s3, s2  }
0x8d: {  	s2 =	sadd.s32 s2, s16  }
0x8e: {  	[smem:$0x3FB0] =	sst s2  }
0x8f: {  	_ = 	snop  }
0x90: {  	(tm) =	ssettm $0x1  }
0x91: {  	s17 =	sld [smem:$0x3FFB];
	_ =	sdelay $0x3  }
0x92: {  	_ =	strace s17  }
0x93: {  	s2 =	sld [smem:$0x3FFC];
	_ =	sdelay $0x3  }
0x94: {  	_ =	strace s2  }
0x95: {  	s2 =	sld [smem:$0x3FFD];
	_ =	sdelay $0x3  }
0x96: {  	_ =	strace s2  }
0x97: {  	_ =	strace $0x8FFFFFFF  }
0x98: {  	s18 =	sld [smem:$0x3FDB];
	_ =	sdelay $0x1  }
0x99: {  	s19 =	simm.s32 $_scs_section_size  }
0x9a: {  	s4 =	simm.s32 $_size__tile_overlayer_lowered;
	s5 =	simm.s32 $_tile_overlayer_lowered  }
0x9b: {  	s22 =	simm.s32 $0x1BFF;
	s21 =	sshll.u32 s5, $0x1;
	s2 =	sadd.s32 s19, s18  }
0x9c: {  	s6 =	simm.s32 $0x0;
	s20 =	sshll.u32 s4, $0x1;
	s4 =	sadd.s32 s21, s2  }
0x9d: {  	[timem:s6], [sflag:s22] =	dma.local [hbm:s4], s20  }
0x9e: {  	_ =	swait.ge [sflag:s22], s20  }
0x9f: {  	s3 =	ssub.s32 $0x0, s20;
	[sflag:s22] =	ssyncset.done $0x0  }
0xa0: {  	[sflag:s22] =	ssyncadd.s32 s3;
	_ =	sdelay $0x1  }
0xa1: {  	s23 =	simm.s32 $0x1B8B  }
0xa2: {  	_ =	swait.ge [sflag:s23], $0x1  }
0xa3: {  	[sflag:s23] =	ssyncset.done $0x0  }
0xa4: {  	s25 =	simm.s32 $0x1B8E;
	s24 =	sld [smem:$0x3FFE];
	[sflag:s23] =	ssyncadd.s32 $0xFFFFFFFF  }
0xa5: {  	s26 =	simm.s32 $execute0_lowered;
	[smem:$0x3FD2] =	sst s25  }
0xa6: {  	s4 =	sshll.u32 s26, $0x1;
	_ =	strace $0x8000004C;
	[dreg:$0x1] =	wrdreg $0xFFFFFFFF  }
0xa7: {  	s28 =	simm.s32 $_size_execute0_lowered;
	s2 =	sadd.s32 s2, s4;
	[dreg:$0x0] =	wrdreg $0x0  }
0xa8: {  	s4 =	sshll.u32 s28, $0x1;
	[dreg:$0x2] =	wrdreg s2  }
0xa9: {  	[dreg:$0x3] =	wrdreg s4  }
0xaa: {  	[dreg:$0x4] =	wrdreg $0xC0  }
0xab: {  	_ =	task [dreg:s6], $0x5FFFF  }
0xac: {  	[dreg:$0x1] =	wrdreg $0xFFFFFFFF  }
0xad: {  	[dreg:$0x0] =	wrdreg $0x60  }
0xae: {  	[dreg:$0x2] =	wrdreg s24  }
0xaf: {  	[dreg:$0x3] =	wrdreg $0x90000  }
0xb0: {  	[dreg:$0x4] =	wrdreg $0x9  }
0xb1: {  	_ =	task.clear_ibuf [dreg:s6], $0x5FFFF;
	_ =	strace $0x9000004C  }
0xb2: {  	s29 =	simm.s32 $0x9;
	_ =	strace $0x8000004E  }
0xb3: {  	_ =	swait.ge [sflag:s29], $0x1  }
0xb4: {  	[sflag:s29] =	ssyncadd.s32 $0xFFFFFFFF  }
0xb5: {  	_ =	strace $0x9000004E  }
0xb6: {  	_ =	sfence  }
0xb7: {  	s30 =	sld [smem:$0x0];
	_ =	sdelay $0x2  }
0xb8: {  	s31 =	sshll.u32 s1, $0xD;
	s1 =	sshrl.u32 s1, $0x2  }
0xb9: {  	s3 =	sand.u32 $0x4000, s31;
	s1 =	sadd.s32 s1, s30  }
0xba: {  	s0 =	sor.u32 s3, s0;
	s1 =	sshll.u32 s1, $0x11  }
0xbb: {  	s0 =	sor.u32 s1, s0  }
0xbc: {  	s0 =	sadd.s32 $0x8F2B, s0  }
0xbd: {  	[sflag:s0] =	ssyncadd.remote.s32 $0x1  }
0xbe: {  	_ =	sfence.sel $0xFFFF  }
0xbf: {  	[dreg:$0x0] =	wrdreg $0xFFFFFFFF;
	(pc) =	sbr.abs _section_cstart, $3  }
0xc0: {  	[dreg:$0x1] =	wrdreg $0xFFFFFFFF  }
0xc1: {  	_ =	task.clear_ibuf [dreg:s6], $0x2FFFF;
	_ =	strace $0x9FFFFFFF  }
0xc2: {  	(tm) =	ssettm $0x7FFFFFFF  }
0xc3: {  	_ =	shalt  }
tec
execute0_lowered:
.L_overlay_start_1:
0x0: {  	(tag) =	ssettag $0x1  }
0x1: {  	s5 =	rddreg [dreg:$0x0]  }
0x2: {  	s2 =	rddreg [dreg:$0x1]  }
0x3: {  	s0 =	rddreg [dreg:$0x2];
	s4 =	srdreg.scid  }
0x4: {  	s1 =	stileid.u32;
	s3 =	simm.s32 $0x0;
	s11 =	simm.s32 $0x6EC00  }
0x5: {  	s14 =	simm.s32 $0x80;
	s15 =	simm.s32 $0x5000;
	s16 =	simm.s32 $0x1  }
0x6: {  	s17 =	simm.s32 $0x7000;
	s18 =	simm.s32 $0x2;
	s19 =	simm.s32 $0x2780  }
0x7: {  	s20 =	simm.s32 $0x4F00;
	s21 =	simm.s32 $0x4F80;
	s22 =	simm.s32 $0x0  }
0x8: {  	s7 =	sand.u32 $0x1, s4;
	s30 =	sshll.u32 s1, $0x1;
	[smem:$0x7FF] =	sst s3  }
0x9: {  	s8 =	smul.u32 $0x9E00, s1;
	s12 =	sshll.u32 s1, $0x6;
	s4 =	sor.u32 s7, s30  }
0xa: {  	_ =	strace $0x8000004D;
	s10 =	ssub.s32 $0x2, s7;
	p0 =	seq.s32 s7, $0x1  }
0xb: {  	s12 =	sor.u32 $0x1C03, s12;
	s6 =	smul.u32 $0x500, s4;
	s4 =	sadd.s32 $0x5B000, s5  }
0xc: {  	s9 =	sshrl.u32 s8, $0x3;
	s31 =	sshrl.u32 s10, $0x1;
	s13 =	sadd.s32 s8, s2  }
0xd: {  	s11 =	simm.s32 @!p0 $0x82800;
	s9 =	sadd.s32 s9, s5;
	s10 =	ssub.s32 s10, s31  }
0xe: {  	s13 =	sshrl.u32 s13, $0x3;
	s6 =	sadd.s32 s6, s5;
	s7 =	sadd.s32 $0x47400, s9  }
0xf: {  	s8 =	smax.u32 s10, $0x1;
	s9 =	sadd.s32 s11, s9;
	s10 =	simm.s32 $0x3  }
0x10: {  	s11 =	simm.s32 $0x2800;
	s5 =	sadd.s32 $0x15C00, s6;
	s6 =	sadd.s32 $0x6A00, s6  }
.LBB2_1:
0x11: {  	[tilespmem:s3], [sflag:$0x3] =	stream.linear.gather [hbm4b:s5+s3], $0x2800, $0x38;
	[tilespmem:$0x12E00] =	vst v63  }
0x12: {  	_ =	swait.ge [sflag:s10], $0x2800  }
0x13: {  	[sflag:s10] =	ssyncset.done $0x0  }
0x14: {  	[sflag:s10] =	ssyncadd.s32 $0xFFFFD800  }
0x15: {  	[tilespmem:s11], [sflag:$0x3] =	stream.linear.gather [hbm4b:s6+s3], $0x2800, $0x38;
	[tilespmem:$0x12E00] =	vst v63  }
0x16: {  	_ =	swait.ge [sflag:s10], $0x2800  }
0x17: {  	[sflag:s10] =	ssyncset.done $0x0  }
0x18: {  	[sflag:s10] =	ssyncadd.s32 $0xFFFFD800  }
0x19: {  	[spmem:s13], [sflag:s12] =	dma.local [hbm:s7], $0x13C0  }
0x1a: {  	_ =	swait.ge [sflag:s10], $0x13C0  }
0x1b: {  	[sflag:s10] =	ssyncset.done $0x0  }
0x1c: {  	[sflag:s10] =	ssyncadd.s32 $0xFFFFEC40  }
0x1d: {  	[bflag:$0x0] =	sbarrier.arrive $0xFFFF  }
0x1e: {  	[tilespmem:s15], [sflag:$0x1] =	stream.indirect.gather [hbm4b:s4+s14], $0x40, s3, s14, $0xb8;
	[tilespmem:$0x12E00] =	vst v63  }
0x1f: {  	_ =	swait.ge [sflag:s16], $0x2000  }
0x20: {  	[sflag:s16] =	ssyncset.done $0x0  }
0x21: {  	s23 =	simm.s32 $0x80;
	[sflag:s16] =	ssyncadd.s32 $0xFFFFE000  }
0x22: {  	[tilespmem:s17], [sflag:$0x2] =	stream.indirect.gather [hbm4b:s4+s14], $0x40, s23, s14, $0xb8;
	[tilespmem:$0x12E00] =	vst v63  }
0x23: {  	s29 =	simm.s32 $0x2800  }
0x24: {  	[spmem:s2] =	stream.indirect.scatter.add.f32 [tilespmem:s15], [sflag:$0x3], $0x40, s29, s14, $0xb8;
	[tilespmem:$0x12E00] =	vst v63  }
0x25: {  	_ =	swait.ge [sflag:s10], $0x2000  }
0x26: {  	[sflag:s10] =	ssyncset.done $0x0  }
0x27: {  	[sflag:s10] =	ssyncadd.s32 $0xFFFFE000  }
0x28: {  	_ =	swait.ge [sflag:s18], $0x2000  }
0x29: {  	[sflag:s18] =	ssyncset.done $0x0  }
0x2a: {  	s30 =	simm.s32 $0x100;
	[sflag:s18] =	ssyncadd.s32 $0xFFFFE000  }
0x2b: {  	[tilespmem:s15], [sflag:$0x1] =	stream.indirect.gather [hbm4b:s4+s14], $0x40, s30, s14, $0xb8;
	[tilespmem:$0x12E00] =	vst v63  }
0x2c: {  	s31 =	simm.s32 $0x2880  }
0x2d: {  	[spmem:s2] =	stream.indirect.scatter.add.f32 [tilespmem:s17], [sflag:$0x3], $0x40, s31, s14, $0xb8;
	[tilespmem:$0x12E00] =	vst v63  }
0x2e: {  	_ =	swait.ge [sflag:s10], $0x2000  }
0x2f: {  	s23 =	simm.s32 $0x400;
	[sflag:s10] =	ssyncset.done $0x0  }
.LBB2_2:
0x30: {  	p0 =	sne.s32 s23, $0x9800  }
0x31: {  	[sflag:s10] =	ssyncadd.s32 $0xFFFFE000;
	s24 =	smov.u32 s23;
	s23 =	sadd.s32 $0x400, s23  }
0x32: {  	_ = 	snop  }
0x33: {  	_ =	swait.ge [sflag:s16], $0x2000  }
0x34: {  	s24 =	sshra.s32 s24, $0x2;
	[sflag:s16] =	ssyncset.done $0x0  }
0x35: {  	s25 =	sadd.s32 $0x80, s24;
	[sflag:s16] =	ssyncadd.s32 $0xFFFFE000  }
0x36: {  	[tilespmem:s17], [sflag:$0x2] =	stream.indirect.gather [hbm4b:s4+s14], $0x40, s25, s14, $0xb8;
	[tilespmem:$0x12E00] =	vst v63  }
0x37: {  	s25 =	sadd.s32 $0x2800, s24  }
0x38: {  	[spmem:s2] =	stream.indirect.scatter.add.f32 [tilespmem:s15], [sflag:$0x3], $0x40, s25, s14, $0xb8;
	[tilespmem:$0x12E00] =	vst v63  }
0x39: {  	_ =	swait.ge [sflag:s10], $0x2000  }
0x3a: {  	[sflag:s10] =	ssyncset.done $0x0  }
0x3b: {  	[sflag:s10] =	ssyncadd.s32 $0xFFFFE000  }
0x3c: {  	_ =	swait.ge [sflag:s18], $0x2000  }
0x3d: {  	[sflag:s18] =	ssyncset.done $0x0  }
0x3e: {  	s25 =	sadd.s32 $0x100, s24;
	[sflag:s18] =	ssyncadd.s32 $0xFFFFE000  }
0x3f: {  	[tilespmem:s15], [sflag:$0x1] =	stream.indirect.gather [hbm4b:s4+s14], $0x40, s25, s14, $0xb8;
	[tilespmem:$0x12E00] =	vst v63  }
.Ltmp0:
0x40: {  	_ = 	snop;
	(pc) =	sbr.rel @p0 .LBB2_2-.Ltmp0, $4  }
0x41: {  	s24 =	sadd.s32 $0x2880, s24  }
0x42: {  	[spmem:s2] =	stream.indirect.scatter.add.f32 [tilespmem:s17], [sflag:$0x3], $0x40, s24, s14, $0xb8;
	[tilespmem:$0x12E00] =	vst v63  }
0x43: {  	_ =	swait.ge [sflag:s10], $0x2000  }
0x44: {  	[sflag:s10] =	ssyncset.done $0x0  }
0x45: {  	[sflag:s10] =	ssyncadd.s32 $0xFFFFE000  }
0x46: {  	_ =	swait.ge [sflag:s16], $0x2000  }
0x47: {  	[sflag:s16] =	ssyncset.done $0x0  }
0x48: {  	[sflag:s16] =	ssyncadd.s32 $0xFFFFE000  }
0x49: {  	[tilespmem:s17], [sflag:$0x2] =	stream.indirect.gather [hbm4b:s4+s14], $0x40, s19, s14, $0xb8;
	[tilespmem:$0x12E00] =	vst v63  }
0x4a: {  	_ = 	snop  }
0x4b: {  	[spmem:s2] =	stream.indirect.scatter.add.f32 [tilespmem:s15], [sflag:$0x3], $0x40, s20, s14, $0xb8;
	[tilespmem:$0x12E00] =	vst v63  }
0x4c: {  	_ =	swait.ge [sflag:s10], $0x2000  }
0x4d: {  	[sflag:s10] =	ssyncset.done $0x0  }
0x4e: {  	[sflag:s10] =	ssyncadd.s32 $0xFFFFE000  }
0x4f: {  	_ =	swait.ge [sflag:s18], $0x2000  }
0x50: {  	[sflag:s18] =	ssyncset.done $0x0  }
0x51: {  	[sflag:s18] =	ssyncadd.s32 $0xFFFFE000  }
0x52: {  	[spmem:s2] =	stream.indirect.scatter.add.f32 [tilespmem:s17], [sflag:$0x3], $0x40, s21, s14, $0xb8;
	[tilespmem:$0x12E00] =	vst v63  }
0x53: {  	_ =	swait.ge [sflag:s10], $0x2000  }
0x54: {  	s22 =	sadd.s32 $0x1, s22;
	[sflag:s10] =	ssyncset.done $0x0  }
0x55: {  	p0 =	sne.s32 s22, s8;
	[sflag:s10] =	ssyncadd.s32 $0xFFFFE000  }
.Ltmp1:
0x56: {  	[bflag:$0x0] =	sbarrier.arrive $0xFFFF;
	(pc) =	sbr.rel @p0 .LBB2_1-.Ltmp1, $4  }
0x57: {  	[hbm:s9], [sflag:s12] =	dma.local [spmem:s13], $0x13C0  }
0x58: {  	_ =	swait.ge [sflag:s10], $0x13C0  }
0x59: {  	[sflag:s10] =	ssyncset.done $0x0  }
0x5a: {  	[sflag:s10] =	ssyncadd.s32 $0xFFFFEC40  }
0x5b: {  	_ =	sfence.sel $0x180000  }
0x5c: {  	[bflag:$0x0] =	sbarrier.arrive $0xFFFF  }
0x5d: {  	p0 =	sne.s32 s1, $0x0;
	_ =	strace $0x9000004D  }
0x5e: {  	s0 =	sadd.s32 @!p0 $0x100000, s0;
	[bflag:$0x2] =	sbarrier.arrive $0xFFFF  }
0x5f: {  	[sflag:s0] =	ssyncadd.tile.s32 @!p0 $0x1;
	_ =	shalt  }
.Lfunc_end2:
_tile_overlayer_lowered:
.L_overlay_start_2:
0x60: {  	(tag) =	ssettag $0x2  }
0x61: {  	s0 =	rddreg [dreg:$0x0];
	s2 =	stileid.u32  }
0x62: {  	s1 =	rddreg [dreg:$0x1];
	p0 =	sne.s32 s2, $0x0  }
0x63: {  	s3 =	rddreg [dreg:$0x2];
	[bflag:$0x3] =	sbarrier.arrive $0xFFFF;
	s2 =	simm.s32 @!p0 $0x1C03  }
0x64: {  	[timem:s3], [sflag:s2] =	dma.local @!p0 [hbm:s0], s1  }
0x65: {  	s0 =	simm.s32 @!p0 $0x3  }
0x66: {  	_ =	swait.ge @!p0 [sflag:s0], s1  }
0x67: {  	s1 =	ssub.s32 @!p0 $0x0, s1;
	[sflag:s0] =	ssyncset.done @!p0 $0x0  }
0x68: {  	[sflag:s0] =	ssyncadd.s32 @!p0 s1  }
0x69: {  	[bflag:$0x3] =	sbarrier.arrive $0xFFFF  }
0x6a: {  	_ =	shalt  }

</sc_bundles>
